<compile_context>
chip_gen: v7x
topology: tpu7x:2x2x1
jax: 0.10.2.dev20260603
libtpu: 0.0.44.dev20260713+nightly
codegen_flags: <defaults>
</compile_context>

<pallas_src>
import functools

import jax
import jax.numpy as jnp
from jax import lax
from jax.experimental import pallas as pl
from jax.experimental.pallas import tpu as pltpu
from jax.experimental.pallas import tpu_sc as plsc

BATCH = 16384
DIM = 64
LANES = 16
NUM_CORES = 2
NUM_SUBCORES = 16
NW = NUM_CORES * NUM_SUBCORES
B_PER_W = BATCH // NW
CHUNK = 128
NCH = B_PER_W // CHUNK

_mesh = plsc.VectorSubcoreMesh(core_axis_name="c", subcore_axis_name="s")


@functools.partial(
    pl.kernel,
    mesh=_mesh,
    out_type=jax.ShapeDtypeStruct((BATCH, DIM), jnp.float32),
    scratch_types=[
        pltpu.VMEM((NCH, CHUNK), jnp.int32),
        pltpu.VMEM((NCH, CHUNK, DIM), jnp.float32),
        pltpu.VMEM((NCH, CHUNK, DIM), jnp.float32),
        pltpu.VMEM((NCH, CHUNK, DIM), jnp.float32),
        pltpu.SemaphoreType.DMA,
    ],
    compiler_params=pltpu.CompilerParams(use_tc_tiling_on_sc=False),
)
def _calibrate(x_hbm, u_hbm, scale_hbm, bias_hbm, out_hbm,
               idx_v, x_v, s_v, b_v, sem):
    wid = lax.axis_index("s") * NUM_CORES + lax.axis_index("c")
    base = wid * B_PER_W

    for j in range(NCH):
        pltpu.sync_copy(u_hbm.at[pl.ds(base + j * CHUNK, CHUNK)], idx_v.at[j])

    copies = []
    for j in range(NCH):
        copies.append(pltpu.async_copy(
            x_hbm.at[pl.ds(base + j * CHUNK, CHUNK)], x_v.at[j], sem))
        copies.append(pltpu.async_copy(
            scale_hbm.at[idx_v.at[j]], s_v.at[j], sem))
        copies.append(pltpu.async_copy(
            bias_hbm.at[idx_v.at[j]], b_v.at[j], sem))
    for c in copies:
        c.wait()

    def row_body(r, _):
        for j in range(NCH):
            for k in range(DIM // LANES):
                sl = pl.ds(k * LANES, LANES)
                x_v[j, r, sl] = x_v[j, r, sl] * s_v[j, r, sl] + b_v[j, r, sl]
        return 0

    lax.fori_loop(0, CHUNK, row_body, 0)

    for j in range(NCH):
        pltpu.sync_copy(x_v.at[j], out_hbm.at[pl.ds(base + j * CHUNK, CHUNK)])


def kernel(x, u, scale_weight, bias_weight):
    return _calibrate(x, u, scale_weight, bias_weight)

# --- scband reference (transcript-rebuilt; emitter-appended) ---
"""Pipeline reference for scband-personal-calibration-16063177687466 (READ-ONLY COPY).

The authoritative reference and input builder live on the scoring server;
editing this copy changes nothing except your own understanding.
"""

import jax, jax.numpy as jnp
import numpy as np

N_USERS = 1000000
DIM = 64
BATCH = 16384


def setup_inputs(seed: int = 0) -> dict:
    key = jax.random.key(seed)
    k_x, k_u = jax.random.split(key, 2)
    x = jax.random.normal(k_x, (BATCH, DIM), dtype=jnp.float32)
    u = jax.random.randint(k_u, (BATCH,), 0, N_USERS, dtype=jnp.int64 if jax.config.jax_enable_x64 else jnp.int32).astype(jnp.int32)
    # Learned parameters, matching torch init: scale=ones, bias=zeros
    scale_weight = jnp.ones((N_USERS, DIM), dtype=jnp.float32)
    bias_weight = jnp.zeros((N_USERS, DIM), dtype=jnp.float32)
    return {"x": x, "u": u, "scale_weight": scale_weight, "bias_weight": bias_weight}


def reference(x, u, scale_weight, bias_weight):
    # PersonalCalibration.forward: x * scale(u) + bias(u)
    s = jnp.take(scale_weight, u, axis=0)
    b = jnp.take(bias_weight, u, axis=0)
    return x * s + b

if __name__ == "__main__":
    import jax
    _d = setup_inputs()
    print(jax.jit(kernel)(*tuple(_d.values())))

</pallas_src>

<mosaic_0001>
#map = affine_map<(d0, d1) -> (0, 0)>
#map1 = affine_map<(d0, d1) -> (0)>
module attributes {stable_mosaic.version = 14 : i64} {
  func.func @_calibrate(%arg0: i32, %arg1: i32, %arg2: memref<16384x64xf32, #tpu.memory_space<hbm>>, %arg3: memref<16384xi32, #tpu.memory_space<hbm>>, %arg4: memref<1000000x64xf32, #tpu.memory_space<hbm>>, %arg5: memref<1000000x64xf32, #tpu.memory_space<hbm>>, %arg6: memref<16384x64xf32, #tpu.memory_space<hbm>>, %arg7: memref<4x128xi32, #tpu.memory_space<vmem>>, %arg8: memref<4x128x64xf32, #tpu.memory_space<vmem>>, %arg9: memref<4x128x64xf32, #tpu.memory_space<vmem>>, %arg10: memref<4x128x64xf32, #tpu.memory_space<vmem>>, %arg11: memref<!tpu.dma_semaphore, #tpu.memory_space<semaphore_mem>>) attributes {dimension_semantics = [#tpu.dimension_semantics<core_parallel>, #tpu.dimension_semantics<subcore_parallel>], iteration_bounds = array<i64: 2, 16>, scalar_prefetch = 0 : i64, scratch_operands = 5 : i64, tpu.core_type = #tpu.core_type<sc_vector_subcore>, window_params = [{transform_indices = #map}, {transform_indices = #map1}, {transform_indices = #map}, {transform_indices = #map}, {transform_indices = #map}]} {
    %mul3A = arith.constant 2 : i32
    %mul3A_0 = arith.muli %arg1, %mul3A : i32
    %add3A = arith.addi %mul3A_0, %arg0 : i32
    %mul3A_1 = arith.constant 512 : i32
    %mul3A_2 = arith.muli %add3A, %mul3A_1 : i32
    %add3A_3 = arith.constant 0 : i32
    %add3A_4 = arith.addi %mul3A_2, %add3A_3 : i32
    %run_scoped3A = arith.constant 0 : i32
    "tpu.region"() ({
      %run_scoped3A_334 = tpu.sem_alloc : memref<!tpu.dma_semaphore, #tpu.memory_space<semaphore_mem>>
      %dma_start3A_335 = arith.constant 0 : i32
      %dma_start3A_336 = tpu.memref_slice %arg7[%run_scoped3A, %dma_start3A_335] : memref<4x128xi32, #tpu.memory_space<vmem>> -> memref<1x128xi32, #tpu.memory_space<vmem>>
      %dma_start3A_337 = tpu.memref_squeeze %dma_start3A_336 : memref<1x128xi32, #tpu.memory_space<vmem>> -> memref<128xi32, #tpu.memory_space<vmem>>
      %dma_start3A_338 = tpu.memref_slice %arg3[%add3A_4] : memref<16384xi32, #tpu.memory_space<hbm>> -> memref<128xi32, #tpu.memory_space<hbm>>
      %dma_start3A_339 = arith.constant 0 : i32
      %dma_start3A_340 = tpu.memref_slice %arg7[%run_scoped3A, %dma_start3A_339] : memref<4x128xi32, #tpu.memory_space<vmem>> -> memref<1x128xi32, #tpu.memory_space<vmem>>
      %dma_start3A_341 = tpu.memref_squeeze %dma_start3A_340 : memref<1x128xi32, #tpu.memory_space<vmem>> -> memref<128xi32, #tpu.memory_space<vmem>>
      %dma_start3A_342 = tpu.memref_slice %arg3[%add3A_4] : memref<16384xi32, #tpu.memory_space<hbm>> -> memref<128xi32, #tpu.memory_space<hbm>>
      tpu.enqueue_dma source(%dma_start3A_342 : memref<128xi32, #tpu.memory_space<hbm>>) target(%dma_start3A_341 : memref<128xi32, #tpu.memory_space<vmem>>) target_semaphore(%run_scoped3A_334 : memref<!tpu.dma_semaphore, #tpu.memory_space<semaphore_mem>>)
      %dma_wait3A_343 = arith.constant 0 : i32
      %dma_wait3A_344 = tpu.memref_slice %arg7[%run_scoped3A, %dma_wait3A_343] : memref<4x128xi32, #tpu.memory_space<vmem>> -> memref<1x128xi32, #tpu.memory_space<vmem>>
      %dma_wait3A_345 = tpu.memref_squeeze %dma_wait3A_344 : memref<1x128xi32, #tpu.memory_space<vmem>> -> memref<128xi32, #tpu.memory_space<vmem>>
      %dma_wait3A_346 = tpu.memref_slice %arg3[%add3A_4] : memref<16384xi32, #tpu.memory_space<hbm>> -> memref<128xi32, #tpu.memory_space<hbm>>
      %dma_wait3A_347 = arith.constant 0 : i32
      %dma_wait3A_348 = tpu.memref_slice %arg7[%run_scoped3A, %dma_wait3A_347] : memref<4x128xi32, #tpu.memory_space<vmem>> -> memref<1x128xi32, #tpu.memory_space<vmem>>
      %dma_wait3A_349 = tpu.memref_squeeze %dma_wait3A_348 : memref<1x128xi32, #tpu.memory_space<vmem>> -> memref<128xi32, #tpu.memory_space<vmem>>
      %dma_wait3A_350 = tpu.memref_slice %arg3[%add3A_4] : memref<16384xi32, #tpu.memory_space<hbm>> -> memref<128xi32, #tpu.memory_space<hbm>>
      tpu.wait_dma2 semaphore(%run_scoped3A_334 : memref<!tpu.dma_semaphore, #tpu.memory_space<semaphore_mem>>) src(%dma_wait3A_350 : memref<128xi32, #tpu.memory_space<hbm>>) dst(%dma_wait3A_349 : memref<128xi32, #tpu.memory_space<vmem>>)
      tpu.yield
    }) : () -> ()
    %add3A_5 = arith.constant 128 : i32
    %add3A_6 = arith.addi %mul3A_2, %add3A_5 : i32
    %run_scoped3A_7 = arith.constant 1 : i32
    "tpu.region"() ({
      %run_scoped3A_334 = tpu.sem_alloc : memref<!tpu.dma_semaphore, #tpu.memory_space<semaphore_mem>>
      %dma_start3A_335 = arith.constant 0 : i32
      %dma_start3A_336 = tpu.memref_slice %arg7[%run_scoped3A_7, %dma_start3A_335] : memref<4x128xi32, #tpu.memory_space<vmem>> -> memref<1x128xi32, #tpu.memory_space<vmem>>
      %dma_start3A_337 = tpu.memref_squeeze %dma_start3A_336 : memref<1x128xi32, #tpu.memory_space<vmem>> -> memref<128xi32, #tpu.memory_space<vmem>>
      %dma_start3A_338 = tpu.memref_slice %arg3[%add3A_6] : memref<16384xi32, #tpu.memory_space<hbm>> -> memref<128xi32, #tpu.memory_space<hbm>>
      %dma_start3A_339 = arith.constant 0 : i32
      %dma_start3A_340 = tpu.memref_slice %arg7[%run_scoped3A_7, %dma_start3A_339] : memref<4x128xi32, #tpu.memory_space<vmem>> -> memref<1x128xi32, #tpu.memory_space<vmem>>
      %dma_start3A_341 = tpu.memref_squeeze %dma_start3A_340 : memref<1x128xi32, #tpu.memory_space<vmem>> -> memref<128xi32, #tpu.memory_space<vmem>>
      %dma_start3A_342 = tpu.memref_slice %arg3[%add3A_6] : memref<16384xi32, #tpu.memory_space<hbm>> -> memref<128xi32, #tpu.memory_space<hbm>>
      tpu.enqueue_dma source(%dma_start3A_342 : memref<128xi32, #tpu.memory_space<hbm>>) target(%dma_start3A_341 : memref<128xi32, #tpu.memory_space<vmem>>) target_semaphore(%run_scoped3A_334 : memref<!tpu.dma_semaphore, #tpu.memory_space<semaphore_mem>>)
      %dma_wait3A_343 = arith.constant 0 : i32
      %dma_wait3A_344 = tpu.memref_slice %arg7[%run_scoped3A_7, %dma_wait3A_343] : memref<4x128xi32, #tpu.memory_space<vmem>> -> memref<1x128xi32, #tpu.memory_space<vmem>>
      %dma_wait3A_345 = tpu.memref_squeeze %dma_wait3A_344 : memref<1x128xi32, #tpu.memory_space<vmem>> -> memref<128xi32, #tpu.memory_space<vmem>>
      %dma_wait3A_346 = tpu.memref_slice %arg3[%add3A_6] : memref<16384xi32, #tpu.memory_space<hbm>> -> memref<128xi32, #tpu.memory_space<hbm>>
      %dma_wait3A_347 = arith.constant 0 : i32
      %dma_wait3A_348 = tpu.memref_slice %arg7[%run_scoped3A_7, %dma_wait3A_347] : memref<4x128xi32, #tpu.memory_space<vmem>> -> memref<1x128xi32, #tpu.memory_space<vmem>>
      %dma_wait3A_349 = tpu.memref_squeeze %dma_wait3A_348 : memref<1x128xi32, #tpu.memory_space<vmem>> -> memref<128xi32, #tpu.memory_space<vmem>>
      %dma_wait3A_350 = tpu.memref_slice %arg3[%add3A_6] : memref<16384xi32, #tpu.memory_space<hbm>> -> memref<128xi32, #tpu.memory_space<hbm>>
      tpu.wait_dma2 semaphore(%run_scoped3A_334 : memref<!tpu.dma_semaphore, #tpu.memory_space<semaphore_mem>>) src(%dma_wait3A_350 : memref<128xi32, #tpu.memory_space<hbm>>) dst(%dma_wait3A_349 : memref<128xi32, #tpu.memory_space<vmem>>)
      tpu.yield
    }) : () -> ()
    %add3A_8 = arith.constant 256 : i32
    %add3A_9 = arith.addi %mul3A_2, %add3A_8 : i32
    %run_scoped3A_10 = arith.constant 2 : i32
    "tpu.region"() ({
      %run_scoped3A_334 = tpu.sem_alloc : memref<!tpu.dma_semaphore, #tpu.memory_space<semaphore_mem>>
      %dma_start3A_335 = arith.constant 0 : i32
      %dma_start3A_336 = tpu.memref_slice %arg7[%run_scoped3A_10, %dma_start3A_335] : memref<4x128xi32, #tpu.memory_space<vmem>> -> memref<1x128xi32, #tpu.memory_space<vmem>>
      %dma_start3A_337 = tpu.memref_squeeze %dma_start3A_336 : memref<1x128xi32, #tpu.memory_space<vmem>> -> memref<128xi32, #tpu.memory_space<vmem>>
      %dma_start3A_338 = tpu.memref_slice %arg3[%add3A_9] : memref<16384xi32, #tpu.memory_space<hbm>> -> memref<128xi32, #tpu.memory_space<hbm>>
      %dma_start3A_339 = arith.constant 0 : i32
      %dma_start3A_340 = tpu.memref_slice %arg7[%run_scoped3A_10, %dma_start3A_339] : memref<4x128xi32, #tpu.memory_space<vmem>> -> memref<1x128xi32, #tpu.memory_space<vmem>>
      %dma_start3A_341 = tpu.memref_squeeze %dma_start3A_340 : memref<1x128xi32, #tpu.memory_space<vmem>> -> memref<128xi32, #tpu.memory_space<vmem>>
      %dma_start3A_342 = tpu.memref_slice %arg3[%add3A_9] : memref<16384xi32, #tpu.memory_space<hbm>> -> memref<128xi32, #tpu.memory_space<hbm>>
      tpu.enqueue_dma source(%dma_start3A_342 : memref<128xi32, #tpu.memory_space<hbm>>) target(%dma_start3A_341 : memref<128xi32, #tpu.memory_space<vmem>>) target_semaphore(%run_scoped3A_334 : memref<!tpu.dma_semaphore, #tpu.memory_space<semaphore_mem>>)
      %dma_wait3A_343 = arith.constant 0 : i32
      %dma_wait3A_344 = tpu.memref_slice %arg7[%run_scoped3A_10, %dma_wait3A_343] : memref<4x128xi32, #tpu.memory_space<vmem>> -> memref<1x128xi32, #tpu.memory_space<vmem>>
      %dma_wait3A_345 = tpu.memref_squeeze %dma_wait3A_344 : memref<1x128xi32, #tpu.memory_space<vmem>> -> memref<128xi32, #tpu.memory_space<vmem>>
      %dma_wait3A_346 = tpu.memref_slice %arg3[%add3A_9] : memref<16384xi32, #tpu.memory_space<hbm>> -> memref<128xi32, #tpu.memory_space<hbm>>
      %dma_wait3A_347 = arith.constant 0 : i32
      %dma_wait3A_348 = tpu.memref_slice %arg7[%run_scoped3A_10, %dma_wait3A_347] : memref<4x128xi32, #tpu.memory_space<vmem>> -> memref<1x128xi32, #tpu.memory_space<vmem>>
      %dma_wait3A_349 = tpu.memref_squeeze %dma_wait3A_348 : memref<1x128xi32, #tpu.memory_space<vmem>> -> memref<128xi32, #tpu.memory_space<vmem>>
      %dma_wait3A_350 = tpu.memref_slice %arg3[%add3A_9] : memref<16384xi32, #tpu.memory_space<hbm>> -> memref<128xi32, #tpu.memory_space<hbm>>
      tpu.wait_dma2 semaphore(%run_scoped3A_334 : memref<!tpu.dma_semaphore, #tpu.memory_space<semaphore_mem>>) src(%dma_wait3A_350 : memref<128xi32, #tpu.memory_space<hbm>>) dst(%dma_wait3A_349 : memref<128xi32, #tpu.memory_space<vmem>>)
      tpu.yield
    }) : () -> ()
    %add3A_11 = arith.constant 384 : i32
    %add3A_12 = arith.addi %mul3A_2, %add3A_11 : i32
    %run_scoped3A_13 = arith.constant 3 : i32
    "tpu.region"() ({
      %run_scoped3A_334 = tpu.sem_alloc : memref<!tpu.dma_semaphore, #tpu.memory_space<semaphore_mem>>
      %dma_start3A_335 = arith.constant 0 : i32
      %dma_start3A_336 = tpu.memref_slice %arg7[%run_scoped3A_13, %dma_start3A_335] : memref<4x128xi32, #tpu.memory_space<vmem>> -> memref<1x128xi32, #tpu.memory_space<vmem>>
      %dma_start3A_337 = tpu.memref_squeeze %dma_start3A_336 : memref<1x128xi32, #tpu.memory_space<vmem>> -> memref<128xi32, #tpu.memory_space<vmem>>
      %dma_start3A_338 = tpu.memref_slice %arg3[%add3A_12] : memref<16384xi32, #tpu.memory_space<hbm>> -> memref<128xi32, #tpu.memory_space<hbm>>
      %dma_start3A_339 = arith.constant 0 : i32
      %dma_start3A_340 = tpu.memref_slice %arg7[%run_scoped3A_13, %dma_start3A_339] : memref<4x128xi32, #tpu.memory_space<vmem>> -> memref<1x128xi32, #tpu.memory_space<vmem>>
      %dma_start3A_341 = tpu.memref_squeeze %dma_start3A_340 : memref<1x128xi32, #tpu.memory_space<vmem>> -> memref<128xi32, #tpu.memory_space<vmem>>
      %dma_start3A_342 = tpu.memref_slice %arg3[%add3A_12] : memref<16384xi32, #tpu.memory_space<hbm>> -> memref<128xi32, #tpu.memory_space<hbm>>
      tpu.enqueue_dma source(%dma_start3A_342 : memref<128xi32, #tpu.memory_space<hbm>>) target(%dma_start3A_341 : memref<128xi32, #tpu.memory_space<vmem>>) target_semaphore(%run_scoped3A_334 : memref<!tpu.dma_semaphore, #tpu.memory_space<semaphore_mem>>)
      %dma_wait3A_343 = arith.constant 0 : i32
      %dma_wait3A_344 = tpu.memref_slice %arg7[%run_scoped3A_13, %dma_wait3A_343] : memref<4x128xi32, #tpu.memory_space<vmem>> -> memref<1x128xi32, #tpu.memory_space<vmem>>
      %dma_wait3A_345 = tpu.memref_squeeze %dma_wait3A_344 : memref<1x128xi32, #tpu.memory_space<vmem>> -> memref<128xi32, #tpu.memory_space<vmem>>
      %dma_wait3A_346 = tpu.memref_slice %arg3[%add3A_12] : memref<16384xi32, #tpu.memory_space<hbm>> -> memref<128xi32, #tpu.memory_space<hbm>>
      %dma_wait3A_347 = arith.constant 0 : i32
      %dma_wait3A_348 = tpu.memref_slice %arg7[%run_scoped3A_13, %dma_wait3A_347] : memref<4x128xi32, #tpu.memory_space<vmem>> -> memref<1x128xi32, #tpu.memory_space<vmem>>
      %dma_wait3A_349 = tpu.memref_squeeze %dma_wait3A_348 : memref<1x128xi32, #tpu.memory_space<vmem>> -> memref<128xi32, #tpu.memory_space<vmem>>
      %dma_wait3A_350 = tpu.memref_slice %arg3[%add3A_12] : memref<16384xi32, #tpu.memory_space<hbm>> -> memref<128xi32, #tpu.memory_space<hbm>>
      tpu.wait_dma2 semaphore(%run_scoped3A_334 : memref<!tpu.dma_semaphore, #tpu.memory_space<semaphore_mem>>) src(%dma_wait3A_350 : memref<128xi32, #tpu.memory_space<hbm>>) dst(%dma_wait3A_349 : memref<128xi32, #tpu.memory_space<vmem>>)
      tpu.yield
    }) : () -> ()
    %add3A_14 = arith.constant 0 : i32
    %add3A_15 = arith.addi %mul3A_2, %add3A_14 : i32
    %dma_start3A = arith.constant 0 : i32
    %dma_start3A_16 = arith.constant 0 : i32
    %dma_start3A_17 = arith.constant 0 : i32
    %dma_start3A_18 = tpu.memref_slice %arg8[%dma_start3A, %dma_start3A_16, %dma_start3A_17] : memref<4x128x64xf32, #tpu.memory_space<vmem>> -> memref<1x128x64xf32, #tpu.memory_space<vmem>>
    %dma_start3A_19 = tpu.memref_squeeze %dma_start3A_18 : memref<1x128x64xf32, #tpu.memory_space<vmem>> -> memref<128x64xf32, #tpu.memory_space<vmem>>
    %dma_start3A_20 = arith.constant 0 : i32
    %dma_start3A_21 = tpu.memref_slice %arg2[%add3A_15, %dma_start3A_20] : memref<16384x64xf32, #tpu.memory_space<hbm>> -> memref<128x64xf32, #tpu.memory_space<hbm>>
    %dma_start3A_22 = arith.constant 0 : i32
    %dma_start3A_23 = arith.constant 0 : i32
    %dma_start3A_24 = tpu.memref_slice %arg8[%dma_start3A, %dma_start3A_22, %dma_start3A_23] : memref<4x128x64xf32, #tpu.memory_space<vmem>> -> memref<1x128x64xf32, #tpu.memory_space<vmem>>
    %dma_start3A_25 = tpu.memref_squeeze %dma_start3A_24 : memref<1x128x64xf32, #tpu.memory_space<vmem>> -> memref<128x64xf32, #tpu.memory_space<vmem>>
    %dma_start3A_26 = arith.constant 0 : i32
    %dma_start3A_27 = tpu.memref_slice %arg2[%add3A_15, %dma_start3A_26] : memref<16384x64xf32, #tpu.memory_space<hbm>> -> memref<128x64xf32, #tpu.memory_space<hbm>>
    tpu.enqueue_dma source(%dma_start3A_27 : memref<128x64xf32, #tpu.memory_space<hbm>>) target(%dma_start3A_25 : memref<128x64xf32, #tpu.memory_space<vmem>>) target_semaphore(%arg11 : memref<!tpu.dma_semaphore, #tpu.memory_space<semaphore_mem>>)
    %dma_start3A_28 = arith.constant 0 : i32
    %dma_start3A_29 = arith.constant 0 : i32
    %dma_start3A_30 = arith.constant 0 : i32
    %dma_start3A_31 = arith.constant 0 : i32
    %dma_start3A_32 = tpu.memref_slice %arg9[%dma_start3A_29, %dma_start3A_30, %dma_start3A_31] : memref<4x128x64xf32, #tpu.memory_space<vmem>> -> memref<1x128x64xf32, #tpu.memory_space<vmem>>
    %dma_start3A_33 = tpu.memref_squeeze %dma_start3A_32 : memref<1x128x64xf32, #tpu.memory_space<vmem>> -> memref<128x64xf32, #tpu.memory_space<vmem>>
    %dma_start3A_34 = arith.constant 0 : i32
    %dma_start3A_35 = tpu.memref_slice %arg7[%dma_start3A_28, %dma_start3A_34] : memref<4x128xi32, #tpu.memory_space<vmem>> -> memref<1x128xi32, #tpu.memory_space<vmem>>
    %dma_start3A_36 = tpu.memref_squeeze %dma_start3A_35 : memref<1x128xi32, #tpu.memory_space<vmem>> -> memref<128xi32, #tpu.memory_space<vmem>>
    %dma_start3A_37 = arith.constant 0 : i32
    %dma_start3A_38 = arith.constant 0 : i32
    %dma_start3A_39 = tpu.memref_slice %arg4[%dma_start3A_37, %dma_start3A_38] : memref<1000000x64xf32, #tpu.memory_space<hbm>> -> memref<1000000x64xf32, #tpu.memory_space<hbm>>
    tpu.enqueue_indirect_dma source(%dma_start3A_39 : memref<1000000x64xf32, #tpu.memory_space<hbm>>) target(%dma_start3A_33 : memref<128x64xf32, #tpu.memory_space<vmem>>) offsets(%dma_start3A_36 : memref<128xi32, #tpu.memory_space<vmem>>) semaphore(%arg11 : memref<!tpu.dma_semaphore, #tpu.memory_space<semaphore_mem>>)
    %dma_start3A_40 = arith.constant 0 : i32
    %dma_start3A_41 = arith.constant 0 : i32
    %dma_start3A_42 = arith.constant 0 : i32
    %dma_start3A_43 = arith.constant 0 : i32
    %dma_start3A_44 = tpu.memref_slice %arg10[%dma_start3A_41, %dma_start3A_42, %dma_start3A_43] : memref<4x128x64xf32, #tpu.memory_space<vmem>> -> memref<1x128x64xf32, #tpu.memory_space<vmem>>
    %dma_start3A_45 = tpu.memref_squeeze %dma_start3A_44 : memref<1x128x64xf32, #tpu.memory_space<vmem>> -> memref<128x64xf32, #tpu.memory_space<vmem>>
    %dma_start3A_46 = arith.constant 0 : i32
    %dma_start3A_47 = tpu.memref_slice %arg7[%dma_start3A_40, %dma_start3A_46] : memref<4x128xi32, #tpu.memory_space<vmem>> -> memref<1x128xi32, #tpu.memory_space<vmem>>
    %dma_start3A_48 = tpu.memref_squeeze %dma_start3A_47 : memref<1x128xi32, #tpu.memory_space<vmem>> -> memref<128xi32, #tpu.memory_space<vmem>>
    %dma_start3A_49 = arith.constant 0 : i32
    %dma_start3A_50 = arith.constant 0 : i32
    %dma_start3A_51 = tpu.memref_slice %arg5[%dma_start3A_49, %dma_start3A_50] : memref<1000000x64xf32, #tpu.memory_space<hbm>> -> memref<1000000x64xf32, #tpu.memory_space<hbm>>
    tpu.enqueue_indirect_dma source(%dma_start3A_51 : memref<1000000x64xf32, #tpu.memory_space<hbm>>) target(%dma_start3A_45 : memref<128x64xf32, #tpu.memory_space<vmem>>) offsets(%dma_start3A_48 : memref<128xi32, #tpu.memory_space<vmem>>) semaphore(%arg11 : memref<!tpu.dma_semaphore, #tpu.memory_space<semaphore_mem>>)
    %add3A_52 = arith.constant 128 : i32
    %add3A_53 = arith.addi %mul3A_2, %add3A_52 : i32
    %dma_start3A_54 = arith.constant 1 : i32
    %dma_start3A_55 = arith.constant 0 : i32
    %dma_start3A_56 = arith.constant 0 : i32
    %dma_start3A_57 = tpu.memref_slice %arg8[%dma_start3A_54, %dma_start3A_55, %dma_start3A_56] : memref<4x128x64xf32, #tpu.memory_space<vmem>> -> memref<1x128x64xf32, #tpu.memory_space<vmem>>
    %dma_start3A_58 = tpu.memref_squeeze %dma_start3A_57 : memref<1x128x64xf32, #tpu.memory_space<vmem>> -> memref<128x64xf32, #tpu.memory_space<vmem>>
    %dma_start3A_59 = arith.constant 0 : i32
    %dma_start3A_60 = tpu.memref_slice %arg2[%add3A_53, %dma_start3A_59] : memref<16384x64xf32, #tpu.memory_space<hbm>> -> memref<128x64xf32, #tpu.memory_space<hbm>>
    %dma_start3A_61 = arith.constant 0 : i32
    %dma_start3A_62 = arith.constant 0 : i32
    %dma_start3A_63 = tpu.memref_slice %arg8[%dma_start3A_54, %dma_start3A_61, %dma_start3A_62] : memref<4x128x64xf32, #tpu.memory_space<vmem>> -> memref<1x128x64xf32, #tpu.memory_space<vmem>>
    %dma_start3A_64 = tpu.memref_squeeze %dma_start3A_63 : memref<1x128x64xf32, #tpu.memory_space<vmem>> -> memref<128x64xf32, #tpu.memory_space<vmem>>
    %dma_start3A_65 = arith.constant 0 : i32
    %dma_start3A_66 = tpu.memref_slice %arg2[%add3A_53, %dma_start3A_65] : memref<16384x64xf32, #tpu.memory_space<hbm>> -> memref<128x64xf32, #tpu.memory_space<hbm>>
    tpu.enqueue_dma source(%dma_start3A_66 : memref<128x64xf32, #tpu.memory_space<hbm>>) target(%dma_start3A_64 : memref<128x64xf32, #tpu.memory_space<vmem>>) target_semaphore(%arg11 : memref<!tpu.dma_semaphore, #tpu.memory_space<semaphore_mem>>)
    %dma_start3A_67 = arith.constant 1 : i32
    %dma_start3A_68 = arith.constant 1 : i32
    %dma_start3A_69 = arith.constant 0 : i32
    %dma_start3A_70 = arith.constant 0 : i32
    %dma_start3A_71 = tpu.memref_slice %arg9[%dma_start3A_68, %dma_start3A_69, %dma_start3A_70] : memref<4x128x64xf32, #tpu.memory_space<vmem>> -> memref<1x128x64xf32, #tpu.memory_space<vmem>>
    %dma_start3A_72 = tpu.memref_squeeze %dma_start3A_71 : memref<1x128x64xf32, #tpu.memory_space<vmem>> -> memref<128x64xf32, #tpu.memory_space<vmem>>
    %dma_start3A_73 = arith.constant 0 : i32
    %dma_start3A_74 = tpu.memref_slice %arg7[%dma_start3A_67, %dma_start3A_73] : memref<4x128xi32, #tpu.memory_space<vmem>> -> memref<1x128xi32, #tpu.memory_space<vmem>>
    %dma_start3A_75 = tpu.memref_squeeze %dma_start3A_74 : memref<1x128xi32, #tpu.memory_space<vmem>> -> memref<128xi32, #tpu.memory_space<vmem>>
    %dma_start3A_76 = arith.constant 0 : i32
    %dma_start3A_77 = arith.constant 0 : i32
    %dma_start3A_78 = tpu.memref_slice %arg4[%dma_start3A_76, %dma_start3A_77] : memref<1000000x64xf32, #tpu.memory_space<hbm>> -> memref<1000000x64xf32, #tpu.memory_space<hbm>>
    tpu.enqueue_indirect_dma source(%dma_start3A_78 : memref<1000000x64xf32, #tpu.memory_space<hbm>>) target(%dma_start3A_72 : memref<128x64xf32, #tpu.memory_space<vmem>>) offsets(%dma_start3A_75 : memref<128xi32, #tpu.memory_space<vmem>>) semaphore(%arg11 : memref<!tpu.dma_semaphore, #tpu.memory_space<semaphore_mem>>)
    %dma_start3A_79 = arith.constant 1 : i32
    %dma_start3A_80 = arith.constant 1 : i32
    %dma_start3A_81 = arith.constant 0 : i32
    %dma_start3A_82 = arith.constant 0 : i32
    %dma_start3A_83 = tpu.memref_slice %arg10[%dma_start3A_80, %dma_start3A_81, %dma_start3A_82] : memref<4x128x64xf32, #tpu.memory_space<vmem>> -> memref<1x128x64xf32, #tpu.memory_space<vmem>>
    %dma_start3A_84 = tpu.memref_squeeze %dma_start3A_83 : memref<1x128x64xf32, #tpu.memory_space<vmem>> -> memref<128x64xf32, #tpu.memory_space<vmem>>
    %dma_start3A_85 = arith.constant 0 : i32
    %dma_start3A_86 = tpu.memref_slice %arg7[%dma_start3A_79, %dma_start3A_85] : memref<4x128xi32, #tpu.memory_space<vmem>> -> memref<1x128xi32, #tpu.memory_space<vmem>>
    %dma_start3A_87 = tpu.memref_squeeze %dma_start3A_86 : memref<1x128xi32, #tpu.memory_space<vmem>> -> memref<128xi32, #tpu.memory_space<vmem>>
    %dma_start3A_88 = arith.constant 0 : i32
    %dma_start3A_89 = arith.constant 0 : i32
    %dma_start3A_90 = tpu.memref_slice %arg5[%dma_start3A_88, %dma_start3A_89] : memref<1000000x64xf32, #tpu.memory_space<hbm>> -> memref<1000000x64xf32, #tpu.memory_space<hbm>>
    tpu.enqueue_indirect_dma source(%dma_start3A_90 : memref<1000000x64xf32, #tpu.memory_space<hbm>>) target(%dma_start3A_84 : memref<128x64xf32, #tpu.memory_space<vmem>>) offsets(%dma_start3A_87 : memref<128xi32, #tpu.memory_space<vmem>>) semaphore(%arg11 : memref<!tpu.dma_semaphore, #tpu.memory_space<semaphore_mem>>)
    %add3A_91 = arith.constant 256 : i32
    %add3A_92 = arith.addi %mul3A_2, %add3A_91 : i32
    %dma_start3A_93 = arith.constant 2 : i32
    %dma_start3A_94 = arith.constant 0 : i32
    %dma_start3A_95 = arith.constant 0 : i32
    %dma_start3A_96 = tpu.memref_slice %arg8[%dma_start3A_93, %dma_start3A_94, %dma_start3A_95] : memref<4x128x64xf32, #tpu.memory_space<vmem>> -> memref<1x128x64xf32, #tpu.memory_space<vmem>>
    %dma_start3A_97 = tpu.memref_squeeze %dma_start3A_96 : memref<1x128x64xf32, #tpu.memory_space<vmem>> -> memref<128x64xf32, #tpu.memory_space<vmem>>
    %dma_start3A_98 = arith.constant 0 : i32
    %dma_start3A_99 = tpu.memref_slice %arg2[%add3A_92, %dma_start3A_98] : memref<16384x64xf32, #tpu.memory_space<hbm>> -> memref<128x64xf32, #tpu.memory_space<hbm>>
    %dma_start3A_100 = arith.constant 0 : i32
    %dma_start3A_101 = arith.constant 0 : i32
    %dma_start3A_102 = tpu.memref_slice %arg8[%dma_start3A_93, %dma_start3A_100, %dma_start3A_101] : memref<4x128x64xf32, #tpu.memory_space<vmem>> -> memref<1x128x64xf32, #tpu.memory_space<vmem>>
    %dma_start3A_103 = tpu.memref_squeeze %dma_start3A_102 : memref<1x128x64xf32, #tpu.memory_space<vmem>> -> memref<128x64xf32, #tpu.memory_space<vmem>>
    %dma_start3A_104 = arith.constant 0 : i32
    %dma_start3A_105 = tpu.memref_slice %arg2[%add3A_92, %dma_start3A_104] : memref<16384x64xf32, #tpu.memory_space<hbm>> -> memref<128x64xf32, #tpu.memory_space<hbm>>
    tpu.enqueue_dma source(%dma_start3A_105 : memref<128x64xf32, #tpu.memory_space<hbm>>) target(%dma_start3A_103 : memref<128x64xf32, #tpu.memory_space<vmem>>) target_semaphore(%arg11 : memref<!tpu.dma_semaphore, #tpu.memory_space<semaphore_mem>>)
    %dma_start3A_106 = arith.constant 2 : i32
    %dma_start3A_107 = arith.constant 2 : i32
    %dma_start3A_108 = arith.constant 0 : i32
    %dma_start3A_109 = arith.constant 0 : i32
    %dma_start3A_110 = tpu.memref_slice %arg9[%dma_start3A_107, %dma_start3A_108, %dma_start3A_109] : memref<4x128x64xf32, #tpu.memory_space<vmem>> -> memref<1x128x64xf32, #tpu.memory_space<vmem>>
    %dma_start3A_111 = tpu.memref_squeeze %dma_start3A_110 : memref<1x128x64xf32, #tpu.memory_space<vmem>> -> memref<128x64xf32, #tpu.memory_space<vmem>>
    %dma_start3A_112 = arith.constant 0 : i32
    %dma_start3A_113 = tpu.memref_slice %arg7[%dma_start3A_106, %dma_start3A_112] : memref<4x128xi32, #tpu.memory_space<vmem>> -> memref<1x128xi32, #tpu.memory_space<vmem>>
    %dma_start3A_114 = tpu.memref_squeeze %dma_start3A_113 : memref<1x128xi32, #tpu.memory_space<vmem>> -> memref<128xi32, #tpu.memory_space<vmem>>
    %dma_start3A_115 = arith.constant 0 : i32
    %dma_start3A_116 = arith.constant 0 : i32
    %dma_start3A_117 = tpu.memref_slice %arg4[%dma_start3A_115, %dma_start3A_116] : memref<1000000x64xf32, #tpu.memory_space<hbm>> -> memref<1000000x64xf32, #tpu.memory_space<hbm>>
    tpu.enqueue_indirect_dma source(%dma_start3A_117 : memref<1000000x64xf32, #tpu.memory_space<hbm>>) target(%dma_start3A_111 : memref<128x64xf32, #tpu.memory_space<vmem>>) offsets(%dma_start3A_114 : memref<128xi32, #tpu.memory_space<vmem>>) semaphore(%arg11 : memref<!tpu.dma_semaphore, #tpu.memory_space<semaphore_mem>>)
    %dma_start3A_118 = arith.constant 2 : i32
    %dma_start3A_119 = arith.constant 2 : i32
    %dma_start3A_120 = arith.constant 0 : i32
    %dma_start3A_121 = arith.constant 0 : i32
    %dma_start3A_122 = tpu.memref_slice %arg10[%dma_start3A_119, %dma_start3A_120, %dma_start3A_121] : memref<4x128x64xf32, #tpu.memory_space<vmem>> -> memref<1x128x64xf32, #tpu.memory_space<vmem>>
    %dma_start3A_123 = tpu.memref_squeeze %dma_start3A_122 : memref<1x128x64xf32, #tpu.memory_space<vmem>> -> memref<128x64xf32, #tpu.memory_space<vmem>>
    %dma_start3A_124 = arith.constant 0 : i32
    %dma_start3A_125 = tpu.memref_slice %arg7[%dma_start3A_118, %dma_start3A_124] : memref<4x128xi32, #tpu.memory_space<vmem>> -> memref<1x128xi32, #tpu.memory_space<vmem>>
    %dma_start3A_126 = tpu.memref_squeeze %dma_start3A_125 : memref<1x128xi32, #tpu.memory_space<vmem>> -> memref<128xi32, #tpu.memory_space<vmem>>
    %dma_start3A_127 = arith.constant 0 : i32
    %dma_start3A_128 = arith.constant 0 : i32
    %dma_start3A_129 = tpu.memref_slice %arg5[%dma_start3A_127, %dma_start3A_128] : memref<1000000x64xf32, #tpu.memory_space<hbm>> -> memref<1000000x64xf32, #tpu.memory_space<hbm>>
    tpu.enqueue_indirect_dma source(%dma_start3A_129 : memref<1000000x64xf32, #tpu.memory_space<hbm>>) target(%dma_start3A_123 : memref<128x64xf32, #tpu.memory_space<vmem>>) offsets(%dma_start3A_126 : memref<128xi32, #tpu.memory_space<vmem>>) semaphore(%arg11 : memref<!tpu.dma_semaphore, #tpu.memory_space<semaphore_mem>>)
    %add3A_130 = arith.constant 384 : i32
    %add3A_131 = arith.addi %mul3A_2, %add3A_130 : i32
    %dma_start3A_132 = arith.constant 3 : i32
    %dma_start3A_133 = arith.constant 0 : i32
    %dma_start3A_134 = arith.constant 0 : i32
    %dma_start3A_135 = tpu.memref_slice %arg8[%dma_start3A_132, %dma_start3A_133, %dma_start3A_134] : memref<4x128x64xf32, #tpu.memory_space<vmem>> -> memref<1x128x64xf32, #tpu.memory_space<vmem>>
    %dma_start3A_136 = tpu.memref_squeeze %dma_start3A_135 : memref<1x128x64xf32, #tpu.memory_space<vmem>> -> memref<128x64xf32, #tpu.memory_space<vmem>>
    %dma_start3A_137 = arith.constant 0 : i32
    %dma_start3A_138 = tpu.memref_slice %arg2[%add3A_131, %dma_start3A_137] : memref<16384x64xf32, #tpu.memory_space<hbm>> -> memref<128x64xf32, #tpu.memory_space<hbm>>
    %dma_start3A_139 = arith.constant 0 : i32
    %dma_start3A_140 = arith.constant 0 : i32
    %dma_start3A_141 = tpu.memref_slice %arg8[%dma_start3A_132, %dma_start3A_139, %dma_start3A_140] : memref<4x128x64xf32, #tpu.memory_space<vmem>> -> memref<1x128x64xf32, #tpu.memory_space<vmem>>
    %dma_start3A_142 = tpu.memref_squeeze %dma_start3A_141 : memref<1x128x64xf32, #tpu.memory_space<vmem>> -> memref<128x64xf32, #tpu.memory_space<vmem>>
    %dma_start3A_143 = arith.constant 0 : i32
    %dma_start3A_144 = tpu.memref_slice %arg2[%add3A_131, %dma_start3A_143] : memref<16384x64xf32, #tpu.memory_space<hbm>> -> memref<128x64xf32, #tpu.memory_space<hbm>>
    tpu.enqueue_dma source(%dma_start3A_144 : memref<128x64xf32, #tpu.memory_space<hbm>>) target(%dma_start3A_142 : memref<128x64xf32, #tpu.memory_space<vmem>>) target_semaphore(%arg11 : memref<!tpu.dma_semaphore, #tpu.memory_space<semaphore_mem>>)
    %dma_start3A_145 = arith.constant 3 : i32
    %dma_start3A_146 = arith.constant 3 : i32
    %dma_start3A_147 = arith.constant 0 : i32
    %dma_start3A_148 = arith.constant 0 : i32
    %dma_start3A_149 = tpu.memref_slice %arg9[%dma_start3A_146, %dma_start3A_147, %dma_start3A_148] : memref<4x128x64xf32, #tpu.memory_space<vmem>> -> memref<1x128x64xf32, #tpu.memory_space<vmem>>
    %dma_start3A_150 = tpu.memref_squeeze %dma_start3A_149 : memref<1x128x64xf32, #tpu.memory_space<vmem>> -> memref<128x64xf32, #tpu.memory_space<vmem>>
    %dma_start3A_151 = arith.constant 0 : i32
    %dma_start3A_152 = tpu.memref_slice %arg7[%dma_start3A_145, %dma_start3A_151] : memref<4x128xi32, #tpu.memory_space<vmem>> -> memref<1x128xi32, #tpu.memory_space<vmem>>
    %dma_start3A_153 = tpu.memref_squeeze %dma_start3A_152 : memref<1x128xi32, #tpu.memory_space<vmem>> -> memref<128xi32, #tpu.memory_space<vmem>>
    %dma_start3A_154 = arith.constant 0 : i32
    %dma_start3A_155 = arith.constant 0 : i32
    %dma_start3A_156 = tpu.memref_slice %arg4[%dma_start3A_154, %dma_start3A_155] : memref<1000000x64xf32, #tpu.memory_space<hbm>> -> memref<1000000x64xf32, #tpu.memory_space<hbm>>
    tpu.enqueue_indirect_dma source(%dma_start3A_156 : memref<1000000x64xf32, #tpu.memory_space<hbm>>) target(%dma_start3A_150 : memref<128x64xf32, #tpu.memory_space<vmem>>) offsets(%dma_start3A_153 : memref<128xi32, #tpu.memory_space<vmem>>) semaphore(%arg11 : memref<!tpu.dma_semaphore, #tpu.memory_space<semaphore_mem>>)
    %dma_start3A_157 = arith.constant 3 : i32
    %dma_start3A_158 = arith.constant 3 : i32
    %dma_start3A_159 = arith.constant 0 : i32
    %dma_start3A_160 = arith.constant 0 : i32
    %dma_start3A_161 = tpu.memref_slice %arg10[%dma_start3A_158, %dma_start3A_159, %dma_start3A_160] : memref<4x128x64xf32, #tpu.memory_space<vmem>> -> memref<1x128x64xf32, #tpu.memory_space<vmem>>
    %dma_start3A_162 = tpu.memref_squeeze %dma_start3A_161 : memref<1x128x64xf32, #tpu.memory_space<vmem>> -> memref<128x64xf32, #tpu.memory_space<vmem>>
    %dma_start3A_163 = arith.constant 0 : i32
    %dma_start3A_164 = tpu.memref_slice %arg7[%dma_start3A_157, %dma_start3A_163] : memref<4x128xi32, #tpu.memory_space<vmem>> -> memref<1x128xi32, #tpu.memory_space<vmem>>
    %dma_start3A_165 = tpu.memref_squeeze %dma_start3A_164 : memref<1x128xi32, #tpu.memory_space<vmem>> -> memref<128xi32, #tpu.memory_space<vmem>>
    %dma_start3A_166 = arith.constant 0 : i32
    %dma_start3A_167 = arith.constant 0 : i32
    %dma_start3A_168 = tpu.memref_slice %arg5[%dma_start3A_166, %dma_start3A_167] : memref<1000000x64xf32, #tpu.memory_space<hbm>> -> memref<1000000x64xf32, #tpu.memory_space<hbm>>
    tpu.enqueue_indirect_dma source(%dma_start3A_168 : memref<1000000x64xf32, #tpu.memory_space<hbm>>) target(%dma_start3A_162 : memref<128x64xf32, #tpu.memory_space<vmem>>) offsets(%dma_start3A_165 : memref<128xi32, #tpu.memory_space<vmem>>) semaphore(%arg11 : memref<!tpu.dma_semaphore, #tpu.memory_space<semaphore_mem>>)
    %dma_wait3A = arith.constant 0 : i32
    %dma_wait3A_169 = arith.constant 0 : i32
    %dma_wait3A_170 = arith.constant 0 : i32
    %dma_wait3A_171 = tpu.memref_slice %arg8[%dma_wait3A, %dma_wait3A_169, %dma_wait3A_170] : memref<4x128x64xf32, #tpu.memory_space<vmem>> -> memref<1x128x64xf32, #tpu.memory_space<vmem>>
    %dma_wait3A_172 = tpu.memref_squeeze %dma_wait3A_171 : memref<1x128x64xf32, #tpu.memory_space<vmem>> -> memref<128x64xf32, #tpu.memory_space<vmem>>
    %dma_wait3A_173 = arith.constant 0 : i32
    %dma_wait3A_174 = tpu.memref_slice %arg2[%add3A_15, %dma_wait3A_173] : memref<16384x64xf32, #tpu.memory_space<hbm>> -> memref<128x64xf32, #tpu.memory_space<hbm>>
    %dma_wait3A_175 = arith.constant 0 : i32
    %dma_wait3A_176 = arith.constant 0 : i32
    %dma_wait3A_177 = tpu.memref_slice %arg8[%dma_wait3A, %dma_wait3A_175, %dma_wait3A_176] : memref<4x128x64xf32, #tpu.memory_space<vmem>> -> memref<1x128x64xf32, #tpu.memory_space<vmem>>
    %dma_wait3A_178 = tpu.memref_squeeze %dma_wait3A_177 : memref<1x128x64xf32, #tpu.memory_space<vmem>> -> memref<128x64xf32, #tpu.memory_space<vmem>>
    %dma_wait3A_179 = arith.constant 0 : i32
    %dma_wait3A_180 = tpu.memref_slice %arg2[%add3A_15, %dma_wait3A_179] : memref<16384x64xf32, #tpu.memory_space<hbm>> -> memref<128x64xf32, #tpu.memory_space<hbm>>
    tpu.wait_dma2 semaphore(%arg11 : memref<!tpu.dma_semaphore, #tpu.memory_space<semaphore_mem>>) src(%dma_wait3A_180 : memref<128x64xf32, #tpu.memory_space<hbm>>) dst(%dma_wait3A_178 : memref<128x64xf32, #tpu.memory_space<vmem>>)
    %dma_wait3A_181 = arith.constant 0 : i32
    %dma_wait3A_182 = arith.constant 0 : i32
    %dma_wait3A_183 = arith.constant 0 : i32
    %dma_wait3A_184 = arith.constant 0 : i32
    %dma_wait3A_185 = tpu.memref_slice %arg9[%dma_wait3A_182, %dma_wait3A_183, %dma_wait3A_184] : memref<4x128x64xf32, #tpu.memory_space<vmem>> -> memref<1x128x64xf32, #tpu.memory_space<vmem>>
    %dma_wait3A_186 = tpu.memref_squeeze %dma_wait3A_185 : memref<1x128x64xf32, #tpu.memory_space<vmem>> -> memref<128x64xf32, #tpu.memory_space<vmem>>
    %dma_wait3A_187 = arith.constant 0 : i32
    %dma_wait3A_188 = tpu.memref_slice %arg7[%dma_wait3A_181, %dma_wait3A_187] : memref<4x128xi32, #tpu.memory_space<vmem>> -> memref<1x128xi32, #tpu.memory_space<vmem>>
    %dma_wait3A_189 = tpu.memref_squeeze %dma_wait3A_188 : memref<1x128xi32, #tpu.memory_space<vmem>> -> memref<128xi32, #tpu.memory_space<vmem>>
    %dma_wait3A_190 = arith.constant 0 : i32
    %dma_wait3A_191 = arith.constant 0 : i32
    %dma_wait3A_192 = tpu.memref_slice %arg4[%dma_wait3A_190, %dma_wait3A_191] : memref<1000000x64xf32, #tpu.memory_space<hbm>> -> memref<1000000x64xf32, #tpu.memory_space<hbm>>
    tpu.wait_indirect_dma semaphore(%arg11 : memref<!tpu.dma_semaphore, #tpu.memory_space<semaphore_mem>>) src(%dma_wait3A_192 : memref<1000000x64xf32, #tpu.memory_space<hbm>>) dst(%dma_wait3A_186 : memref<128x64xf32, #tpu.memory_space<vmem>>)
    %dma_wait3A_193 = arith.constant 0 : i32
    %dma_wait3A_194 = arith.constant 0 : i32
    %dma_wait3A_195 = arith.constant 0 : i32
    %dma_wait3A_196 = arith.constant 0 : i32
    %dma_wait3A_197 = tpu.memref_slice %arg10[%dma_wait3A_194, %dma_wait3A_195, %dma_wait3A_196] : memref<4x128x64xf32, #tpu.memory_space<vmem>> -> memref<1x128x64xf32, #tpu.memory_space<vmem>>
    %dma_wait3A_198 = tpu.memref_squeeze %dma_wait3A_197 : memref<1x128x64xf32, #tpu.memory_space<vmem>> -> memref<128x64xf32, #tpu.memory_space<vmem>>
    %dma_wait3A_199 = arith.constant 0 : i32
    %dma_wait3A_200 = tpu.memref_slice %arg7[%dma_wait3A_193, %dma_wait3A_199] : memref<4x128xi32, #tpu.memory_space<vmem>> -> memref<1x128xi32, #tpu.memory_space<vmem>>
    %dma_wait3A_201 = tpu.memref_squeeze %dma_wait3A_200 : memref<1x128xi32, #tpu.memory_space<vmem>> -> memref<128xi32, #tpu.memory_space<vmem>>
    %dma_wait3A_202 = arith.constant 0 : i32
    %dma_wait3A_203 = arith.constant 0 : i32
    %dma_wait3A_204 = tpu.memref_slice %arg5[%dma_wait3A_202, %dma_wait3A_203] : memref<1000000x64xf32, #tpu.memory_space<hbm>> -> memref<1000000x64xf32, #tpu.memory_space<hbm>>
    tpu.wait_indirect_dma semaphore(%arg11 : memref<!tpu.dma_semaphore, #tpu.memory_space<semaphore_mem>>) src(%dma_wait3A_204 : memref<1000000x64xf32, #tpu.memory_space<hbm>>) dst(%dma_wait3A_198 : memref<128x64xf32, #tpu.memory_space<vmem>>)
    %dma_wait3A_205 = arith.constant 1 : i32
    %dma_wait3A_206 = arith.constant 0 : i32
    %dma_wait3A_207 = arith.constant 0 : i32
    %dma_wait3A_208 = tpu.memref_slice %arg8[%dma_wait3A_205, %dma_wait3A_206, %dma_wait3A_207] : memref<4x128x64xf32, #tpu.memory_space<vmem>> -> memref<1x128x64xf32, #tpu.memory_space<vmem>>
    %dma_wait3A_209 = tpu.memref_squeeze %dma_wait3A_208 : memref<1x128x64xf32, #tpu.memory_space<vmem>> -> memref<128x64xf32, #tpu.memory_space<vmem>>
    %dma_wait3A_210 = arith.constant 0 : i32
    %dma_wait3A_211 = tpu.memref_slice %arg2[%add3A_53, %dma_wait3A_210] : memref<16384x64xf32, #tpu.memory_space<hbm>> -> memref<128x64xf32, #tpu.memory_space<hbm>>
    %dma_wait3A_212 = arith.constant 0 : i32
    %dma_wait3A_213 = arith.constant 0 : i32
    %dma_wait3A_214 = tpu.memref_slice %arg8[%dma_wait3A_205, %dma_wait3A_212, %dma_wait3A_213] : memref<4x128x64xf32, #tpu.memory_space<vmem>> -> memref<1x128x64xf32, #tpu.memory_space<vmem>>
    %dma_wait3A_215 = tpu.memref_squeeze %dma_wait3A_214 : memref<1x128x64xf32, #tpu.memory_space<vmem>> -> memref<128x64xf32, #tpu.memory_space<vmem>>
    %dma_wait3A_216 = arith.constant 0 : i32
    %dma_wait3A_217 = tpu.memref_slice %arg2[%add3A_53, %dma_wait3A_216] : memref<16384x64xf32, #tpu.memory_space<hbm>> -> memref<128x64xf32, #tpu.memory_space<hbm>>
    tpu.wait_dma2 semaphore(%arg11 : memref<!tpu.dma_semaphore, #tpu.memory_space<semaphore_mem>>) src(%dma_wait3A_217 : memref<128x64xf32, #tpu.memory_space<hbm>>) dst(%dma_wait3A_215 : memref<128x64xf32, #tpu.memory_space<vmem>>)
    %dma_wait3A_218 = arith.constant 1 : i32
    %dma_wait3A_219 = arith.constant 1 : i32
    %dma_wait3A_220 = arith.constant 0 : i32
    %dma_wait3A_221 = arith.constant 0 : i32
    %dma_wait3A_222 = tpu.memref_slice %arg9[%dma_wait3A_219, %dma_wait3A_220, %dma_wait3A_221] : memref<4x128x64xf32, #tpu.memory_space<vmem>> -> memref<1x128x64xf32, #tpu.memory_space<vmem>>
    %dma_wait3A_223 = tpu.memref_squeeze %dma_wait3A_222 : memref<1x128x64xf32, #tpu.memory_space<vmem>> -> memref<128x64xf32, #tpu.memory_space<vmem>>
    %dma_wait3A_224 = arith.constant 0 : i32
    %dma_wait3A_225 = tpu.memref_slice %arg7[%dma_wait3A_218, %dma_wait3A_224] : memref<4x128xi32, #tpu.memory_space<vmem>> -> memref<1x128xi32, #tpu.memory_space<vmem>>
    %dma_wait3A_226 = tpu.memref_squeeze %dma_wait3A_225 : memref<1x128xi32, #tpu.memory_space<vmem>> -> memref<128xi32, #tpu.memory_space<vmem>>
    %dma_wait3A_227 = arith.constant 0 : i32
    %dma_wait3A_228 = arith.constant 0 : i32
    %dma_wait3A_229 = tpu.memref_slice %arg4[%dma_wait3A_227, %dma_wait3A_228] : memref<1000000x64xf32, #tpu.memory_space<hbm>> -> memref<1000000x64xf32, #tpu.memory_space<hbm>>
    tpu.wait_indirect_dma semaphore(%arg11 : memref<!tpu.dma_semaphore, #tpu.memory_space<semaphore_mem>>) src(%dma_wait3A_229 : memref<1000000x64xf32, #tpu.memory_space<hbm>>) dst(%dma_wait3A_223 : memref<128x64xf32, #tpu.memory_space<vmem>>)
    %dma_wait3A_230 = arith.constant 1 : i32
    %dma_wait3A_231 = arith.constant 1 : i32
    %dma_wait3A_232 = arith.constant 0 : i32
    %dma_wait3A_233 = arith.constant 0 : i32
    %dma_wait3A_234 = tpu.memref_slice %arg10[%dma_wait3A_231, %dma_wait3A_232, %dma_wait3A_233] : memref<4x128x64xf32, #tpu.memory_space<vmem>> -> memref<1x128x64xf32, #tpu.memory_space<vmem>>
    %dma_wait3A_235 = tpu.memref_squeeze %dma_wait3A_234 : memref<1x128x64xf32, #tpu.memory_space<vmem>> -> memref<128x64xf32, #tpu.memory_space<vmem>>
    %dma_wait3A_236 = arith.constant 0 : i32
    %dma_wait3A_237 = tpu.memref_slice %arg7[%dma_wait3A_230, %dma_wait3A_236] : memref<4x128xi32, #tpu.memory_space<vmem>> -> memref<1x128xi32, #tpu.memory_space<vmem>>
    %dma_wait3A_238 = tpu.memref_squeeze %dma_wait3A_237 : memref<1x128xi32, #tpu.memory_space<vmem>> -> memref<128xi32, #tpu.memory_space<vmem>>
    %dma_wait3A_239 = arith.constant 0 : i32
    %dma_wait3A_240 = arith.constant 0 : i32
    %dma_wait3A_241 = tpu.memref_slice %arg5[%dma_wait3A_239, %dma_wait3A_240] : memref<1000000x64xf32, #tpu.memory_space<hbm>> -> memref<1000000x64xf32, #tpu.memory_space<hbm>>
    tpu.wait_indirect_dma semaphore(%arg11 : memref<!tpu.dma_semaphore, #tpu.memory_space<semaphore_mem>>) src(%dma_wait3A_241 : memref<1000000x64xf32, #tpu.memory_space<hbm>>) dst(%dma_wait3A_235 : memref<128x64xf32, #tpu.memory_space<vmem>>)
    %dma_wait3A_242 = arith.constant 2 : i32
    %dma_wait3A_243 = arith.constant 0 : i32
    %dma_wait3A_244 = arith.constant 0 : i32
    %dma_wait3A_245 = tpu.memref_slice %arg8[%dma_wait3A_242, %dma_wait3A_243, %dma_wait3A_244] : memref<4x128x64xf32, #tpu.memory_space<vmem>> -> memref<1x128x64xf32, #tpu.memory_space<vmem>>
    %dma_wait3A_246 = tpu.memref_squeeze %dma_wait3A_245 : memref<1x128x64xf32, #tpu.memory_space<vmem>> -> memref<128x64xf32, #tpu.memory_space<vmem>>
    %dma_wait3A_247 = arith.constant 0 : i32
    %dma_wait3A_248 = tpu.memref_slice %arg2[%add3A_92, %dma_wait3A_247] : memref<16384x64xf32, #tpu.memory_space<hbm>> -> memref<128x64xf32, #tpu.memory_space<hbm>>
    %dma_wait3A_249 = arith.constant 0 : i32
    %dma_wait3A_250 = arith.constant 0 : i32
    %dma_wait3A_251 = tpu.memref_slice %arg8[%dma_wait3A_242, %dma_wait3A_249, %dma_wait3A_250] : memref<4x128x64xf32, #tpu.memory_space<vmem>> -> memref<1x128x64xf32, #tpu.memory_space<vmem>>
    %dma_wait3A_252 = tpu.memref_squeeze %dma_wait3A_251 : memref<1x128x64xf32, #tpu.memory_space<vmem>> -> memref<128x64xf32, #tpu.memory_space<vmem>>
    %dma_wait3A_253 = arith.constant 0 : i32
    %dma_wait3A_254 = tpu.memref_slice %arg2[%add3A_92, %dma_wait3A_253] : memref<16384x64xf32, #tpu.memory_space<hbm>> -> memref<128x64xf32, #tpu.memory_space<hbm>>
    tpu.wait_dma2 semaphore(%arg11 : memref<!tpu.dma_semaphore, #tpu.memory_space<semaphore_mem>>) src(%dma_wait3A_254 : memref<128x64xf32, #tpu.memory_space<hbm>>) dst(%dma_wait3A_252 : memref<128x64xf32, #tpu.memory_space<vmem>>)
    %dma_wait3A_255 = arith.constant 2 : i32
    %dma_wait3A_256 = arith.constant 2 : i32
    %dma_wait3A_257 = arith.constant 0 : i32
    %dma_wait3A_258 = arith.constant 0 : i32
    %dma_wait3A_259 = tpu.memref_slice %arg9[%dma_wait3A_256, %dma_wait3A_257, %dma_wait3A_258] : memref<4x128x64xf32, #tpu.memory_space<vmem>> -> memref<1x128x64xf32, #tpu.memory_space<vmem>>
    %dma_wait3A_260 = tpu.memref_squeeze %dma_wait3A_259 : memref<1x128x64xf32, #tpu.memory_space<vmem>> -> memref<128x64xf32, #tpu.memory_space<vmem>>
    %dma_wait3A_261 = arith.constant 0 : i32
    %dma_wait3A_262 = tpu.memref_slice %arg7[%dma_wait3A_255, %dma_wait3A_261] : memref<4x128xi32, #tpu.memory_space<vmem>> -> memref<1x128xi32, #tpu.memory_space<vmem>>
    %dma_wait3A_263 = tpu.memref_squeeze %dma_wait3A_262 : memref<1x128xi32, #tpu.memory_space<vmem>> -> memref<128xi32, #tpu.memory_space<vmem>>
    %dma_wait3A_264 = arith.constant 0 : i32
    %dma_wait3A_265 = arith.constant 0 : i32
    %dma_wait3A_266 = tpu.memref_slice %arg4[%dma_wait3A_264, %dma_wait3A_265] : memref<1000000x64xf32, #tpu.memory_space<hbm>> -> memref<1000000x64xf32, #tpu.memory_space<hbm>>
    tpu.wait_indirect_dma semaphore(%arg11 : memref<!tpu.dma_semaphore, #tpu.memory_space<semaphore_mem>>) src(%dma_wait3A_266 : memref<1000000x64xf32, #tpu.memory_space<hbm>>) dst(%dma_wait3A_260 : memref<128x64xf32, #tpu.memory_space<vmem>>)
    %dma_wait3A_267 = arith.constant 2 : i32
    %dma_wait3A_268 = arith.constant 2 : i32
    %dma_wait3A_269 = arith.constant 0 : i32
    %dma_wait3A_270 = arith.constant 0 : i32
    %dma_wait3A_271 = tpu.memref_slice %arg10[%dma_wait3A_268, %dma_wait3A_269, %dma_wait3A_270] : memref<4x128x64xf32, #tpu.memory_space<vmem>> -> memref<1x128x64xf32, #tpu.memory_space<vmem>>
    %dma_wait3A_272 = tpu.memref_squeeze %dma_wait3A_271 : memref<1x128x64xf32, #tpu.memory_space<vmem>> -> memref<128x64xf32, #tpu.memory_space<vmem>>
    %dma_wait3A_273 = arith.constant 0 : i32
    %dma_wait3A_274 = tpu.memref_slice %arg7[%dma_wait3A_267, %dma_wait3A_273] : memref<4x128xi32, #tpu.memory_space<vmem>> -> memref<1x128xi32, #tpu.memory_space<vmem>>
    %dma_wait3A_275 = tpu.memref_squeeze %dma_wait3A_274 : memref<1x128xi32, #tpu.memory_space<vmem>> -> memref<128xi32, #tpu.memory_space<vmem>>
    %dma_wait3A_276 = arith.constant 0 : i32
    %dma_wait3A_277 = arith.constant 0 : i32
    %dma_wait3A_278 = tpu.memref_slice %arg5[%dma_wait3A_276, %dma_wait3A_277] : memref<1000000x64xf32, #tpu.memory_space<hbm>> -> memref<1000000x64xf32, #tpu.memory_space<hbm>>
    tpu.wait_indirect_dma semaphore(%arg11 : memref<!tpu.dma_semaphore, #tpu.memory_space<semaphore_mem>>) src(%dma_wait3A_278 : memref<1000000x64xf32, #tpu.memory_space<hbm>>) dst(%dma_wait3A_272 : memref<128x64xf32, #tpu.memory_space<vmem>>)
    %dma_wait3A_279 = arith.constant 3 : i32
    %dma_wait3A_280 = arith.constant 0 : i32
    %dma_wait3A_281 = arith.constant 0 : i32
    %dma_wait3A_282 = tpu.memref_slice %arg8[%dma_wait3A_279, %dma_wait3A_280, %dma_wait3A_281] : memref<4x128x64xf32, #tpu.memory_space<vmem>> -> memref<1x128x64xf32, #tpu.memory_space<vmem>>
    %dma_wait3A_283 = tpu.memref_squeeze %dma_wait3A_282 : memref<1x128x64xf32, #tpu.memory_space<vmem>> -> memref<128x64xf32, #tpu.memory_space<vmem>>
    %dma_wait3A_284 = arith.constant 0 : i32
    %dma_wait3A_285 = tpu.memref_slice %arg2[%add3A_131, %dma_wait3A_284] : memref<16384x64xf32, #tpu.memory_space<hbm>> -> memref<128x64xf32, #tpu.memory_space<hbm>>
    %dma_wait3A_286 = arith.constant 0 : i32
    %dma_wait3A_287 = arith.constant 0 : i32
    %dma_wait3A_288 = tpu.memref_slice %arg8[%dma_wait3A_279, %dma_wait3A_286, %dma_wait3A_287] : memref<4x128x64xf32, #tpu.memory_space<vmem>> -> memref<1x128x64xf32, #tpu.memory_space<vmem>>
    %dma_wait3A_289 = tpu.memref_squeeze %dma_wait3A_288 : memref<1x128x64xf32, #tpu.memory_space<vmem>> -> memref<128x64xf32, #tpu.memory_space<vmem>>
    %dma_wait3A_290 = arith.constant 0 : i32
    %dma_wait3A_291 = tpu.memref_slice %arg2[%add3A_131, %dma_wait3A_290] : memref<16384x64xf32, #tpu.memory_space<hbm>> -> memref<128x64xf32, #tpu.memory_space<hbm>>
    tpu.wait_dma2 semaphore(%arg11 : memref<!tpu.dma_semaphore, #tpu.memory_space<semaphore_mem>>) src(%dma_wait3A_291 : memref<128x64xf32, #tpu.memory_space<hbm>>) dst(%dma_wait3A_289 : memref<128x64xf32, #tpu.memory_space<vmem>>)
    %dma_wait3A_292 = arith.constant 3 : i32
    %dma_wait3A_293 = arith.constant 3 : i32
    %dma_wait3A_294 = arith.constant 0 : i32
    %dma_wait3A_295 = arith.constant 0 : i32
    %dma_wait3A_296 = tpu.memref_slice %arg9[%dma_wait3A_293, %dma_wait3A_294, %dma_wait3A_295] : memref<4x128x64xf32, #tpu.memory_space<vmem>> -> memref<1x128x64xf32, #tpu.memory_space<vmem>>
    %dma_wait3A_297 = tpu.memref_squeeze %dma_wait3A_296 : memref<1x128x64xf32, #tpu.memory_space<vmem>> -> memref<128x64xf32, #tpu.memory_space<vmem>>
    %dma_wait3A_298 = arith.constant 0 : i32
    %dma_wait3A_299 = tpu.memref_slice %arg7[%dma_wait3A_292, %dma_wait3A_298] : memref<4x128xi32, #tpu.memory_space<vmem>> -> memref<1x128xi32, #tpu.memory_space<vmem>>
    %dma_wait3A_300 = tpu.memref_squeeze %dma_wait3A_299 : memref<1x128xi32, #tpu.memory_space<vmem>> -> memref<128xi32, #tpu.memory_space<vmem>>
    %dma_wait3A_301 = arith.constant 0 : i32
    %dma_wait3A_302 = arith.constant 0 : i32
    %dma_wait3A_303 = tpu.memref_slice %arg4[%dma_wait3A_301, %dma_wait3A_302] : memref<1000000x64xf32, #tpu.memory_space<hbm>> -> memref<1000000x64xf32, #tpu.memory_space<hbm>>
    tpu.wait_indirect_dma semaphore(%arg11 : memref<!tpu.dma_semaphore, #tpu.memory_space<semaphore_mem>>) src(%dma_wait3A_303 : memref<1000000x64xf32, #tpu.memory_space<hbm>>) dst(%dma_wait3A_297 : memref<128x64xf32, #tpu.memory_space<vmem>>)
    %dma_wait3A_304 = arith.constant 3 : i32
    %dma_wait3A_305 = arith.constant 3 : i32
    %dma_wait3A_306 = arith.constant 0 : i32
    %dma_wait3A_307 = arith.constant 0 : i32
    %dma_wait3A_308 = tpu.memref_slice %arg10[%dma_wait3A_305, %dma_wait3A_306, %dma_wait3A_307] : memref<4x128x64xf32, #tpu.memory_space<vmem>> -> memref<1x128x64xf32, #tpu.memory_space<vmem>>
    %dma_wait3A_309 = tpu.memref_squeeze %dma_wait3A_308 : memref<1x128x64xf32, #tpu.memory_space<vmem>> -> memref<128x64xf32, #tpu.memory_space<vmem>>
    %dma_wait3A_310 = arith.constant 0 : i32
    %dma_wait3A_311 = tpu.memref_slice %arg7[%dma_wait3A_304, %dma_wait3A_310] : memref<4x128xi32, #tpu.memory_space<vmem>> -> memref<1x128xi32, #tpu.memory_space<vmem>>
    %dma_wait3A_312 = tpu.memref_squeeze %dma_wait3A_311 : memref<1x128xi32, #tpu.memory_space<vmem>> -> memref<128xi32, #tpu.memory_space<vmem>>
    %dma_wait3A_313 = arith.constant 0 : i32
    %dma_wait3A_314 = arith.constant 0 : i32
    %dma_wait3A_315 = tpu.memref_slice %arg5[%dma_wait3A_313, %dma_wait3A_314] : memref<1000000x64xf32, #tpu.memory_space<hbm>> -> memref<1000000x64xf32, #tpu.memory_space<hbm>>
    tpu.wait_indirect_dma semaphore(%arg11 : memref<!tpu.dma_semaphore, #tpu.memory_space<semaphore_mem>>) src(%dma_wait3A_315 : memref<1000000x64xf32, #tpu.memory_space<hbm>>) dst(%dma_wait3A_309 : memref<128x64xf32, #tpu.memory_space<vmem>>)
    %scan3A = arith.constant 0 : i32
    %scan3A_316 = arith.constant 0 : i32
    %scan3A_317 = arith.constant 128 : i32
    %scan3A_318 = arith.addi %scan3A_316, %scan3A_317 : i32
    %scan3A_319 = arith.constant 1 : i32
    %scan3A_320 = scf.for %scan3A_334 = %scan3A_316 to %scan3A_318 step %scan3A_319 iter_args(%scan3A_335 = %scan3A) -> (i32)  : i32 {
      %get3A = arith.constant 0 : i32
      %get3A_336 = arith.index_cast %get3A : i32 to index
      %get3A_337 = arith.index_cast %scan3A_334 : i32 to index
      %get3A_338 = arith.constant 0 : index
      %get3A_339 = tpu.vector_load %arg8[%get3A_336, %get3A_337, %get3A_338] {strides = array<i32>} : memref<4x128x64xf32, #tpu.memory_space<vmem>>, vector<1x1x16xf32>,
      %get3A_340 = vector.shape_cast %get3A_339 : vector<1x1x16xf32> to vector<16xf32>
      %get3A_341 = arith.constant 0 : i32
      %get3A_342 = arith.index_cast %get3A_341 : i32 to index
      %get3A_343 = arith.index_cast %scan3A_334 : i32 to index
      %get3A_344 = arith.constant 0 : index
      %get3A_345 = tpu.vector_load %arg9[%get3A_342, %get3A_343, %get3A_344] {strides = array<i32>} : memref<4x128x64xf32, #tpu.memory_space<vmem>>, vector<1x1x16xf32>,
      %get3A_346 = vector.shape_cast %get3A_345 : vector<1x1x16xf32> to vector<16xf32>
      %mul3A_347 = arith.mulf %get3A_340, %get3A_346 : vector<16xf32>
      %get3A_348 = arith.constant 0 : i32
      %get3A_349 = arith.index_cast %get3A_348 : i32 to index
      %get3A_350 = arith.index_cast %scan3A_334 : i32 to index
      %get3A_351 = arith.constant 0 : index
      %get3A_352 = tpu.vector_load %arg10[%get3A_349, %get3A_350, %get3A_351] {strides = array<i32>} : memref<4x128x64xf32, #tpu.memory_space<vmem>>, vector<1x1x16xf32>,
      %get3A_353 = vector.shape_cast %get3A_352 : vector<1x1x16xf32> to vector<16xf32>
      %add3A_354 = arith.addf %mul3A_347, %get3A_353 : vector<16xf32>
      %swap3A = arith.constant 0 : i32
      %swap3A_355 = arith.index_cast %swap3A : i32 to index
      %swap3A_356 = arith.index_cast %scan3A_334 : i32 to index
      %swap3A_357 = arith.constant 0 : index
      %swap3A_358 = tpu.vector_load %arg8[%swap3A_355, %swap3A_356, %swap3A_357] {strides = array<i32>} : memref<4x128x64xf32, #tpu.memory_space<vmem>>, vector<1x1x16xf32>,
      %swap3A_359 = vector.shape_cast %swap3A_358 : vector<1x1x16xf32> to vector<16xf32>
      %swap3A_360 = vector.shape_cast %add3A_354 : vector<16xf32> to vector<1x1x16xf32>
      tpu.vector_store %arg8[%swap3A_355, %swap3A_356, %swap3A_357], %swap3A_360 {strides = array<i32>} : memref<4x128x64xf32, #tpu.memory_space<vmem>>, vector<1x1x16xf32>,
      %get3A_361 = arith.constant 0 : i32
      %get3A_362 = arith.index_cast %get3A_361 : i32 to index
      %get3A_363 = arith.index_cast %scan3A_334 : i32 to index
      %get3A_364 = arith.constant 16 : index
      %get3A_365 = tpu.vector_load %arg8[%get3A_362, %get3A_363, %get3A_364] {strides = array<i32>} : memref<4x128x64xf32, #tpu.memory_space<vmem>>, vector<1x1x16xf32>,
      %get3A_366 = vector.shape_cast %get3A_365 : vector<1x1x16xf32> to vector<16xf32>
      %get3A_367 = arith.constant 0 : i32
      %get3A_368 = arith.index_cast %get3A_367 : i32 to index
      %get3A_369 = arith.index_cast %scan3A_334 : i32 to index
      %get3A_370 = arith.constant 16 : index
      %get3A_371 = tpu.vector_load %arg9[%get3A_368, %get3A_369, %get3A_370] {strides = array<i32>} : memref<4x128x64xf32, #tpu.memory_space<vmem>>, vector<1x1x16xf32>,
      %get3A_372 = vector.shape_cast %get3A_371 : vector<1x1x16xf32> to vector<16xf32>
      %mul3A_373 = arith.mulf %get3A_366, %get3A_372 : vector<16xf32>
      %get3A_374 = arith.constant 0 : i32
      %get3A_375 = arith.index_cast %get3A_374 : i32 to index
      %get3A_376 = arith.index_cast %scan3A_334 : i32 to index
      %get3A_377 = arith.constant 16 : index
      %get3A_378 = tpu.vector_load %arg10[%get3A_375, %get3A_376, %get3A_377] {strides = array<i32>} : memref<4x128x64xf32, #tpu.memory_space<vmem>>, vector<1x1x16xf32>,
      %get3A_379 = vector.shape_cast %get3A_378 : vector<1x1x16xf32> to vector<16xf32>
      %add3A_380 = arith.addf %mul3A_373, %get3A_379 : vector<16xf32>
      %swap3A_381 = arith.constant 0 : i32
      %swap3A_382 = arith.index_cast %swap3A_381 : i32 to index
      %swap3A_383 = arith.index_cast %scan3A_334 : i32 to index
      %swap3A_384 = arith.constant 16 : index
      %swap3A_385 = tpu.vector_load %arg8[%swap3A_382, %swap3A_383, %swap3A_384] {strides = array<i32>} : memref<4x128x64xf32, #tpu.memory_space<vmem>>, vector<1x1x16xf32>,
      %swap3A_386 = vector.shape_cast %swap3A_385 : vector<1x1x16xf32> to vector<16xf32>
      %swap3A_387 = vector.shape_cast %add3A_380 : vector<16xf32> to vector<1x1x16xf32>
      tpu.vector_store %arg8[%swap3A_382, %swap3A_383, %swap3A_384], %swap3A_387 {strides = array<i32>} : memref<4x128x64xf32, #tpu.memory_space<vmem>>, vector<1x1x16xf32>,
      %get3A_388 = arith.constant 0 : i32
      %get3A_389 = arith.index_cast %get3A_388 : i32 to index
      %get3A_390 = arith.index_cast %scan3A_334 : i32 to index
      %get3A_391 = arith.constant 32 : index
      %get3A_392 = tpu.vector_load %arg8[%get3A_389, %get3A_390, %get3A_391] {strides = array<i32>} : memref<4x128x64xf32, #tpu.memory_space<vmem>>, vector<1x1x16xf32>,
      %get3A_393 = vector.shape_cast %get3A_392 : vector<1x1x16xf32> to vector<16xf32>
      %get3A_394 = arith.constant 0 : i32
      %get3A_395 = arith.index_cast %get3A_394 : i32 to index
      %get3A_396 = arith.index_cast %scan3A_334 : i32 to index
      %get3A_397 = arith.constant 32 : index
      %get3A_398 = tpu.vector_load %arg9[%get3A_395, %get3A_396, %get3A_397] {strides = array<i32>} : memref<4x128x64xf32, #tpu.memory_space<vmem>>, vector<1x1x16xf32>,
      %get3A_399 = vector.shape_cast %get3A_398 : vector<1x1x16xf32> to vector<16xf32>
      %mul3A_400 = arith.mulf %get3A_393, %get3A_399 : vector<16xf32>
      %get3A_401 = arith.constant 0 : i32
      %get3A_402 = arith.index_cast %get3A_401 : i32 to index
      %get3A_403 = arith.index_cast %scan3A_334 : i32 to index
      %get3A_404 = arith.constant 32 : index
      %get3A_405 = tpu.vector_load %arg10[%get3A_402, %get3A_403, %get3A_404] {strides = array<i32>} : memref<4x128x64xf32, #tpu.memory_space<vmem>>, vector<1x1x16xf32>,
      %get3A_406 = vector.shape_cast %get3A_405 : vector<1x1x16xf32> to vector<16xf32>
      %add3A_407 = arith.addf %mul3A_400, %get3A_406 : vector<16xf32>
      %swap3A_408 = arith.constant 0 : i32
      %swap3A_409 = arith.index_cast %swap3A_408 : i32 to index
      %swap3A_410 = arith.index_cast %scan3A_334 : i32 to index
      %swap3A_411 = arith.constant 32 : index
      %swap3A_412 = tpu.vector_load %arg8[%swap3A_409, %swap3A_410, %swap3A_411] {strides = array<i32>} : memref<4x128x64xf32, #tpu.memory_space<vmem>>, vector<1x1x16xf32>,
      %swap3A_413 = vector.shape_cast %swap3A_412 : vector<1x1x16xf32> to vector<16xf32>
      %swap3A_414 = vector.shape_cast %add3A_407 : vector<16xf32> to vector<1x1x16xf32>
      tpu.vector_store %arg8[%swap3A_409, %swap3A_410, %swap3A_411], %swap3A_414 {strides = array<i32>} : memref<4x128x64xf32, #tpu.memory_space<vmem>>, vector<1x1x16xf32>,
      %get3A_415 = arith.constant 0 : i32
      %get3A_416 = arith.index_cast %get3A_415 : i32 to index
      %get3A_417 = arith.index_cast %scan3A_334 : i32 to index
      %get3A_418 = arith.constant 48 : index
      %get3A_419 = tpu.vector_load %arg8[%get3A_416, %get3A_417, %get3A_418] {strides = array<i32>} : memref<4x128x64xf32, #tpu.memory_space<vmem>>, vector<1x1x16xf32>,
      %get3A_420 = vector.shape_cast %get3A_419 : vector<1x1x16xf32> to vector<16xf32>
      %get3A_421 = arith.constant 0 : i32
      %get3A_422 = arith.index_cast %get3A_421 : i32 to index
      %get3A_423 = arith.index_cast %scan3A_334 : i32 to index
      %get3A_424 = arith.constant 48 : index
      %get3A_425 = tpu.vector_load %arg9[%get3A_422, %get3A_423, %get3A_424] {strides = array<i32>} : memref<4x128x64xf32, #tpu.memory_space<vmem>>, vector<1x1x16xf32>,
      %get3A_426 = vector.shape_cast %get3A_425 : vector<1x1x16xf32> to vector<16xf32>
      %mul3A_427 = arith.mulf %get3A_420, %get3A_426 : vector<16xf32>
      %get3A_428 = arith.constant 0 : i32
      %get3A_429 = arith.index_cast %get3A_428 : i32 to index
      %get3A_430 = arith.index_cast %scan3A_334 : i32 to index
      %get3A_431 = arith.constant 48 : index
      %get3A_432 = tpu.vector_load %arg10[%get3A_429, %get3A_430, %get3A_431] {strides = array<i32>} : memref<4x128x64xf32, #tpu.memory_space<vmem>>, vector<1x1x16xf32>,
      %get3A_433 = vector.shape_cast %get3A_432 : vector<1x1x16xf32> to vector<16xf32>
      %add3A_434 = arith.addf %mul3A_427, %get3A_433 : vector<16xf32>
      %swap3A_435 = arith.constant 0 : i32
      %swap3A_436 = arith.index_cast %swap3A_435 : i32 to index
      %swap3A_437 = arith.index_cast %scan3A_334 : i32 to index
      %swap3A_438 = arith.constant 48 : index
      %swap3A_439 = tpu.vector_load %arg8[%swap3A_436, %swap3A_437, %swap3A_438] {strides = array<i32>} : memref<4x128x64xf32, #tpu.memory_space<vmem>>, vector<1x1x16xf32>,
      %swap3A_440 = vector.shape_cast %swap3A_439 : vector<1x1x16xf32> to vector<16xf32>
      %swap3A_441 = vector.shape_cast %add3A_434 : vector<16xf32> to vector<1x1x16xf32>
      tpu.vector_store %arg8[%swap3A_436, %swap3A_437, %swap3A_438], %swap3A_441 {strides = array<i32>} : memref<4x128x64xf32, #tpu.memory_space<vmem>>, vector<1x1x16xf32>,
      %get3A_442 = arith.constant 1 : i32
      %get3A_443 = arith.index_cast %get3A_442 : i32 to index
      %get3A_444 = arith.index_cast %scan3A_334 : i32 to index
      %get3A_445 = arith.constant 0 : index
      %get3A_446 = tpu.vector_load %arg8[%get3A_443, %get3A_444, %get3A_445] {strides = array<i32>} : memref<4x128x64xf32, #tpu.memory_space<vmem>>, vector<1x1x16xf32>,
      %get3A_447 = vector.shape_cast %get3A_446 : vector<1x1x16xf32> to vector<16xf32>
      %get3A_448 = arith.constant 1 : i32
      %get3A_449 = arith.index_cast %get3A_448 : i32 to index
      %get3A_450 = arith.index_cast %scan3A_334 : i32 to index
      %get3A_451 = arith.constant 0 : index
      %get3A_452 = tpu.vector_load %arg9[%get3A_449, %get3A_450, %get3A_451] {strides = array<i32>} : memref<4x128x64xf32, #tpu.memory_space<vmem>>, vector<1x1x16xf32>,
      %get3A_453 = vector.shape_cast %get3A_452 : vector<1x1x16xf32> to vector<16xf32>
      %mul3A_454 = arith.mulf %get3A_447, %get3A_453 : vector<16xf32>
      %get3A_455 = arith.constant 1 : i32
      %get3A_456 = arith.index_cast %get3A_455 : i32 to index
      %get3A_457 = arith.index_cast %scan3A_334 : i32 to index
      %get3A_458 = arith.constant 0 : index
      %get3A_459 = tpu.vector_load %arg10[%get3A_456, %get3A_457, %get3A_458] {strides = array<i32>} : memref<4x128x64xf32, #tpu.memory_space<vmem>>, vector<1x1x16xf32>,
      %get3A_460 = vector.shape_cast %get3A_459 : vector<1x1x16xf32> to vector<16xf32>
      %add3A_461 = arith.addf %mul3A_454, %get3A_460 : vector<16xf32>
      %swap3A_462 = arith.constant 1 : i32
      %swap3A_463 = arith.index_cast %swap3A_462 : i32 to index
      %swap3A_464 = arith.index_cast %scan3A_334 : i32 to index
      %swap3A_465 = arith.constant 0 : index
      %swap3A_466 = tpu.vector_load %arg8[%swap3A_463, %swap3A_464, %swap3A_465] {strides = array<i32>} : memref<4x128x64xf32, #tpu.memory_space<vmem>>, vector<1x1x16xf32>,
      %swap3A_467 = vector.shape_cast %swap3A_466 : vector<1x1x16xf32> to vector<16xf32>
      %swap3A_468 = vector.shape_cast %add3A_461 : vector<16xf32> to vector<1x1x16xf32>
      tpu.vector_store %arg8[%swap3A_463, %swap3A_464, %swap3A_465], %swap3A_468 {strides = array<i32>} : memref<4x128x64xf32, #tpu.memory_space<vmem>>, vector<1x1x16xf32>,
      %get3A_469 = arith.constant 1 : i32
      %get3A_470 = arith.index_cast %get3A_469 : i32 to index
      %get3A_471 = arith.index_cast %scan3A_334 : i32 to index
      %get3A_472 = arith.constant 16 : index
      %get3A_473 = tpu.vector_load %arg8[%get3A_470, %get3A_471, %get3A_472] {strides = array<i32>} : memref<4x128x64xf32, #tpu.memory_space<vmem>>, vector<1x1x16xf32>,
      %get3A_474 = vector.shape_cast %get3A_473 : vector<1x1x16xf32> to vector<16xf32>
      %get3A_475 = arith.constant 1 : i32
      %get3A_476 = arith.index_cast %get3A_475 : i32 to index
      %get3A_477 = arith.index_cast %scan3A_334 : i32 to index
      %get3A_478 = arith.constant 16 : index
      %get3A_479 = tpu.vector_load %arg9[%get3A_476, %get3A_477, %get3A_478] {strides = array<i32>} : memref<4x128x64xf32, #tpu.memory_space<vmem>>, vector<1x1x16xf32>,
      %get3A_480 = vector.shape_cast %get3A_479 : vector<1x1x16xf32> to vector<16xf32>
      %mul3A_481 = arith.mulf %get3A_474, %get3A_480 : vector<16xf32>
      %get3A_482 = arith.constant 1 : i32
      %get3A_483 = arith.index_cast %get3A_482 : i32 to index
      %get3A_484 = arith.index_cast %scan3A_334 : i32 to index
      %get3A_485 = arith.constant 16 : index
      %get3A_486 = tpu.vector_load %arg10[%get3A_483, %get3A_484, %get3A_485] {strides = array<i32>} : memref<4x128x64xf32, #tpu.memory_space<vmem>>, vector<1x1x16xf32>,
      %get3A_487 = vector.shape_cast %get3A_486 : vector<1x1x16xf32> to vector<16xf32>
      %add3A_488 = arith.addf %mul3A_481, %get3A_487 : vector<16xf32>
      %swap3A_489 = arith.constant 1 : i32
      %swap3A_490 = arith.index_cast %swap3A_489 : i32 to index
      %swap3A_491 = arith.index_cast %scan3A_334 : i32 to index
      %swap3A_492 = arith.constant 16 : index
      %swap3A_493 = tpu.vector_load %arg8[%swap3A_490, %swap3A_491, %swap3A_492] {strides = array<i32>} : memref<4x128x64xf32, #tpu.memory_space<vmem>>, vector<1x1x16xf32>,
      %swap3A_494 = vector.shape_cast %swap3A_493 : vector<1x1x16xf32> to vector<16xf32>
      %swap3A_495 = vector.shape_cast %add3A_488 : vector<16xf32> to vector<1x1x16xf32>
      tpu.vector_store %arg8[%swap3A_490, %swap3A_491, %swap3A_492], %swap3A_495 {strides = array<i32>} : memref<4x128x64xf32, #tpu.memory_space<vmem>>, vector<1x1x16xf32>,
      %get3A_496 = arith.constant 1 : i32
      %get3A_497 = arith.index_cast %get3A_496 : i32 to index
      %get3A_498 = arith.index_cast %scan3A_334 : i32 to index
      %get3A_499 = arith.constant 32 : index
      %get3A_500 = tpu.vector_load %arg8[%get3A_497, %get3A_498, %get3A_499] {strides = array<i32>} : memref<4x128x64xf32, #tpu.memory_space<vmem>>, vector<1x1x16xf32>,
      %get3A_501 = vector.shape_cast %get3A_500 : vector<1x1x16xf32> to vector<16xf32>
      %get3A_502 = arith.constant 1 : i32
      %get3A_503 = arith.index_cast %get3A_502 : i32 to index
      %get3A_504 = arith.index_cast %scan3A_334 : i32 to index
      %get3A_505 = arith.constant 32 : index
      %get3A_506 = tpu.vector_load %arg9[%get3A_503, %get3A_504, %get3A_505] {strides = array<i32>} : memref<4x128x64xf32, #tpu.memory_space<vmem>>, vector<1x1x16xf32>,
      %get3A_507 = vector.shape_cast %get3A_506 : vector<1x1x16xf32> to vector<16xf32>
      %mul3A_508 = arith.mulf %get3A_501, %get3A_507 : vector<16xf32>
      %get3A_509 = arith.constant 1 : i32
      %get3A_510 = arith.index_cast %get3A_509 : i32 to index
      %get3A_511 = arith.index_cast %scan3A_334 : i32 to index
      %get3A_512 = arith.constant 32 : index
      %get3A_513 = tpu.vector_load %arg10[%get3A_510, %get3A_511, %get3A_512] {strides = array<i32>} : memref<4x128x64xf32, #tpu.memory_space<vmem>>, vector<1x1x16xf32>,
      %get3A_514 = vector.shape_cast %get3A_513 : vector<1x1x16xf32> to vector<16xf32>
      %add3A_515 = arith.addf %mul3A_508, %get3A_514 : vector<16xf32>
      %swap3A_516 = arith.constant 1 : i32
      %swap3A_517 = arith.index_cast %swap3A_516 : i32 to index
      %swap3A_518 = arith.index_cast %scan3A_334 : i32 to index
      %swap3A_519 = arith.constant 32 : index
      %swap3A_520 = tpu.vector_load %arg8[%swap3A_517, %swap3A_518, %swap3A_519] {strides = array<i32>} : memref<4x128x64xf32, #tpu.memory_space<vmem>>, vector<1x1x16xf32>,
      %swap3A_521 = vector.shape_cast %swap3A_520 : vector<1x1x16xf32> to vector<16xf32>
      %swap3A_522 = vector.shape_cast %add3A_515 : vector<16xf32> to vector<1x1x16xf32>
      tpu.vector_store %arg8[%swap3A_517, %swap3A_518, %swap3A_519], %swap3A_522 {strides = array<i32>} : memref<4x128x64xf32, #tpu.memory_space<vmem>>, vector<1x1x16xf32>,
      %get3A_523 = arith.constant 1 : i32
      %get3A_524 = arith.index_cast %get3A_523 : i32 to index
      %get3A_525 = arith.index_cast %scan3A_334 : i32 to index
      %get3A_526 = arith.constant 48 : index
      %get3A_527 = tpu.vector_load %arg8[%get3A_524, %get3A_525, %get3A_526] {strides = array<i32>} : memref<4x128x64xf32, #tpu.memory_space<vmem>>, vector<1x1x16xf32>,
      %get3A_528 = vector.shape_cast %get3A_527 : vector<1x1x16xf32> to vector<16xf32>
      %get3A_529 = arith.constant 1 : i32
      %get3A_530 = arith.index_cast %get3A_529 : i32 to index
      %get3A_531 = arith.index_cast %scan3A_334 : i32 to index
      %get3A_532 = arith.constant 48 : index
      %get3A_533 = tpu.vector_load %arg9[%get3A_530, %get3A_531, %get3A_532] {strides = array<i32>} : memref<4x128x64xf32, #tpu.memory_space<vmem>>, vector<1x1x16xf32>,
      %get3A_534 = vector.shape_cast %get3A_533 : vector<1x1x16xf32> to vector<16xf32>
      %mul3A_535 = arith.mulf %get3A_528, %get3A_534 : vector<16xf32>
      %get3A_536 = arith.constant 1 : i32
      %get3A_537 = arith.index_cast %get3A_536 : i32 to index
      %get3A_538 = arith.index_cast %scan3A_334 : i32 to index
      %get3A_539 = arith.constant 48 : index
      %get3A_540 = tpu.vector_load %arg10[%get3A_537, %get3A_538, %get3A_539] {strides = array<i32>} : memref<4x128x64xf32, #tpu.memory_space<vmem>>, vector<1x1x16xf32>,
      %get3A_541 = vector.shape_cast %get3A_540 : vector<1x1x16xf32> to vector<16xf32>
      %add3A_542 = arith.addf %mul3A_535, %get3A_541 : vector<16xf32>
      %swap3A_543 = arith.constant 1 : i32
      %swap3A_544 = arith.index_cast %swap3A_543 : i32 to index
      %swap3A_545 = arith.index_cast %scan3A_334 : i32 to index
      %swap3A_546 = arith.constant 48 : index
      %swap3A_547 = tpu.vector_load %arg8[%swap3A_544, %swap3A_545, %swap3A_546] {strides = array<i32>} : memref<4x128x64xf32, #tpu.memory_space<vmem>>, vector<1x1x16xf32>,
      %swap3A_548 = vector.shape_cast %swap3A_547 : vector<1x1x16xf32> to vector<16xf32>
      %swap3A_549 = vector.shape_cast %add3A_542 : vector<16xf32> to vector<1x1x16xf32>
      tpu.vector_store %arg8[%swap3A_544, %swap3A_545, %swap3A_546], %swap3A_549 {strides = array<i32>} : memref<4x128x64xf32, #tpu.memory_space<vmem>>, vector<1x1x16xf32>,
      %get3A_550 = arith.constant 2 : i32
      %get3A_551 = arith.index_cast %get3A_550 : i32 to index
      %get3A_552 = arith.index_cast %scan3A_334 : i32 to index
      %get3A_553 = arith.constant 0 : index
      %get3A_554 = tpu.vector_load %arg8[%get3A_551, %get3A_552, %get3A_553] {strides = array<i32>} : memref<4x128x64xf32, #tpu.memory_space<vmem>>, vector<1x1x16xf32>,
      %get3A_555 = vector.shape_cast %get3A_554 : vector<1x1x16xf32> to vector<16xf32>
      %get3A_556 = arith.constant 2 : i32
      %get3A_557 = arith.index_cast %get3A_556 : i32 to index
      %get3A_558 = arith.index_cast %scan3A_334 : i32 to index
      %get3A_559 = arith.constant 0 : index
      %get3A_560 = tpu.vector_load %arg9[%get3A_557, %get3A_558, %get3A_559] {strides = array<i32>} : memref<4x128x64xf32, #tpu.memory_space<vmem>>, vector<1x1x16xf32>,
      %get3A_561 = vector.shape_cast %get3A_560 : vector<1x1x16xf32> to vector<16xf32>
      %mul3A_562 = arith.mulf %get3A_555, %get3A_561 : vector<16xf32>
      %get3A_563 = arith.constant 2 : i32
      %get3A_564 = arith.index_cast %get3A_563 : i32 to index
      %get3A_565 = arith.index_cast %scan3A_334 : i32 to index
      %get3A_566 = arith.constant 0 : index
      %get3A_567 = tpu.vector_load %arg10[%get3A_564, %get3A_565, %get3A_566] {strides = array<i32>} : memref<4x128x64xf32, #tpu.memory_space<vmem>>, vector<1x1x16xf32>,
      %get3A_568 = vector.shape_cast %get3A_567 : vector<1x1x16xf32> to vector<16xf32>
      %add3A_569 = arith.addf %mul3A_562, %get3A_568 : vector<16xf32>
      %swap3A_570 = arith.constant 2 : i32
      %swap3A_571 = arith.index_cast %swap3A_570 : i32 to index
      %swap3A_572 = arith.index_cast %scan3A_334 : i32 to index
      %swap3A_573 = arith.constant 0 : index
      %swap3A_574 = tpu.vector_load %arg8[%swap3A_571, %swap3A_572, %swap3A_573] {strides = array<i32>} : memref<4x128x64xf32, #tpu.memory_space<vmem>>, vector<1x1x16xf32>,
      %swap3A_575 = vector.shape_cast %swap3A_574 : vector<1x1x16xf32> to vector<16xf32>
      %swap3A_576 = vector.shape_cast %add3A_569 : vector<16xf32> to vector<1x1x16xf32>
      tpu.vector_store %arg8[%swap3A_571, %swap3A_572, %swap3A_573], %swap3A_576 {strides = array<i32>} : memref<4x128x64xf32, #tpu.memory_space<vmem>>, vector<1x1x16xf32>,
      %get3A_577 = arith.constant 2 : i32
      %get3A_578 = arith.index_cast %get3A_577 : i32 to index
      %get3A_579 = arith.index_cast %scan3A_334 : i32 to index
      %get3A_580 = arith.constant 16 : index
      %get3A_581 = tpu.vector_load %arg8[%get3A_578, %get3A_579, %get3A_580] {strides = array<i32>} : memref<4x128x64xf32, #tpu.memory_space<vmem>>, vector<1x1x16xf32>,
      %get3A_582 = vector.shape_cast %get3A_581 : vector<1x1x16xf32> to vector<16xf32>
      %get3A_583 = arith.constant 2 : i32
      %get3A_584 = arith.index_cast %get3A_583 : i32 to index
      %get3A_585 = arith.index_cast %scan3A_334 : i32 to index
      %get3A_586 = arith.constant 16 : index
      %get3A_587 = tpu.vector_load %arg9[%get3A_584, %get3A_585, %get3A_586] {strides = array<i32>} : memref<4x128x64xf32, #tpu.memory_space<vmem>>, vector<1x1x16xf32>,
      %get3A_588 = vector.shape_cast %get3A_587 : vector<1x1x16xf32> to vector<16xf32>
      %mul3A_589 = arith.mulf %get3A_582, %get3A_588 : vector<16xf32>
      %get3A_590 = arith.constant 2 : i32
      %get3A_591 = arith.index_cast %get3A_590 : i32 to index
      %get3A_592 = arith.index_cast %scan3A_334 : i32 to index
      %get3A_593 = arith.constant 16 : index
      %get3A_594 = tpu.vector_load %arg10[%get3A_591, %get3A_592, %get3A_593] {strides = array<i32>} : memref<4x128x64xf32, #tpu.memory_space<vmem>>, vector<1x1x16xf32>,
      %get3A_595 = vector.shape_cast %get3A_594 : vector<1x1x16xf32> to vector<16xf32>
      %add3A_596 = arith.addf %mul3A_589, %get3A_595 : vector<16xf32>
      %swap3A_597 = arith.constant 2 : i32
      %swap3A_598 = arith.index_cast %swap3A_597 : i32 to index
      %swap3A_599 = arith.index_cast %scan3A_334 : i32 to index
      %swap3A_600 = arith.constant 16 : index
      %swap3A_601 = tpu.vector_load %arg8[%swap3A_598, %swap3A_599, %swap3A_600] {strides = array<i32>} : memref<4x128x64xf32, #tpu.memory_space<vmem>>, vector<1x1x16xf32>,
      %swap3A_602 = vector.shape_cast %swap3A_601 : vector<1x1x16xf32> to vector<16xf32>
      %swap3A_603 = vector.shape_cast %add3A_596 : vector<16xf32> to vector<1x1x16xf32>
      tpu.vector_store %arg8[%swap3A_598, %swap3A_599, %swap3A_600], %swap3A_603 {strides = array<i32>} : memref<4x128x64xf32, #tpu.memory_space<vmem>>, vector<1x1x16xf32>,
      %get3A_604 = arith.constant 2 : i32
      %get3A_605 = arith.index_cast %get3A_604 : i32 to index
      %get3A_606 = arith.index_cast %scan3A_334 : i32 to index
      %get3A_607 = arith.constant 32 : index
      %get3A_608 = tpu.vector_load %arg8[%get3A_605, %get3A_606, %get3A_607] {strides = array<i32>} : memref<4x128x64xf32, #tpu.memory_space<vmem>>, vector<1x1x16xf32>,
      %get3A_609 = vector.shape_cast %get3A_608 : vector<1x1x16xf32> to vector<16xf32>
      %get3A_610 = arith.constant 2 : i32
      %get3A_611 = arith.index_cast %get3A_610 : i32 to index
      %get3A_612 = arith.index_cast %scan3A_334 : i32 to index
      %get3A_613 = arith.constant 32 : index
      %get3A_614 = tpu.vector_load %arg9[%get3A_611, %get3A_612, %get3A_613] {strides = array<i32>} : memref<4x128x64xf32, #tpu.memory_space<vmem>>, vector<1x1x16xf32>,
      %get3A_615 = vector.shape_cast %get3A_614 : vector<1x1x16xf32> to vector<16xf32>
      %mul3A_616 = arith.mulf %get3A_609, %get3A_615 : vector<16xf32>
      %get3A_617 = arith.constant 2 : i32
      %get3A_618 = arith.index_cast %get3A_617 : i32 to index
      %get3A_619 = arith.index_cast %scan3A_334 : i32 to index
      %get3A_620 = arith.constant 32 : index
      %get3A_621 = tpu.vector_load %arg10[%get3A_618, %get3A_619, %get3A_620] {strides = array<i32>} : memref<4x128x64xf32, #tpu.memory_space<vmem>>, vector<1x1x16xf32>,
      %get3A_622 = vector.shape_cast %get3A_621 : vector<1x1x16xf32> to vector<16xf32>
      %add3A_623 = arith.addf %mul3A_616, %get3A_622 : vector<16xf32>
      %swap3A_624 = arith.constant 2 : i32
      %swap3A_625 = arith.index_cast %swap3A_624 : i32 to index
      %swap3A_626 = arith.index_cast %scan3A_334 : i32 to index
      %swap3A_627 = arith.constant 32 : index
      %swap3A_628 = tpu.vector_load %arg8[%swap3A_625, %swap3A_626, %swap3A_627] {strides = array<i32>} : memref<4x128x64xf32, #tpu.memory_space<vmem>>, vector<1x1x16xf32>,
      %swap3A_629 = vector.shape_cast %swap3A_628 : vector<1x1x16xf32> to vector<16xf32>
      %swap3A_630 = vector.shape_cast %add3A_623 : vector<16xf32> to vector<1x1x16xf32>
      tpu.vector_store %arg8[%swap3A_625, %swap3A_626, %swap3A_627], %swap3A_630 {strides = array<i32>} : memref<4x128x64xf32, #tpu.memory_space<vmem>>, vector<1x1x16xf32>,
      %get3A_631 = arith.constant 2 : i32
      %get3A_632 = arith.index_cast %get3A_631 : i32 to index
      %get3A_633 = arith.index_cast %scan3A_334 : i32 to index
      %get3A_634 = arith.constant 48 : index
      %get3A_635 = tpu.vector_load %arg8[%get3A_632, %get3A_633, %get3A_634] {strides = array<i32>} : memref<4x128x64xf32, #tpu.memory_space<vmem>>, vector<1x1x16xf32>,
      %get3A_636 = vector.shape_cast %get3A_635 : vector<1x1x16xf32> to vector<16xf32>
      %get3A_637 = arith.constant 2 : i32
      %get3A_638 = arith.index_cast %get3A_637 : i32 to index
      %get3A_639 = arith.index_cast %scan3A_334 : i32 to index
      %get3A_640 = arith.constant 48 : index
      %get3A_641 = tpu.vector_load %arg9[%get3A_638, %get3A_639, %get3A_640] {strides = array<i32>} : memref<4x128x64xf32, #tpu.memory_space<vmem>>, vector<1x1x16xf32>,
      %get3A_642 = vector.shape_cast %get3A_641 : vector<1x1x16xf32> to vector<16xf32>
      %mul3A_643 = arith.mulf %get3A_636, %get3A_642 : vector<16xf32>
      %get3A_644 = arith.constant 2 : i32
      %get3A_645 = arith.index_cast %get3A_644 : i32 to index
      %get3A_646 = arith.index_cast %scan3A_334 : i32 to index
      %get3A_647 = arith.constant 48 : index
      %get3A_648 = tpu.vector_load %arg10[%get3A_645, %get3A_646, %get3A_647] {strides = array<i32>} : memref<4x128x64xf32, #tpu.memory_space<vmem>>, vector<1x1x16xf32>,
      %get3A_649 = vector.shape_cast %get3A_648 : vector<1x1x16xf32> to vector<16xf32>
      %add3A_650 = arith.addf %mul3A_643, %get3A_649 : vector<16xf32>
      %swap3A_651 = arith.constant 2 : i32
      %swap3A_652 = arith.index_cast %swap3A_651 : i32 to index
      %swap3A_653 = arith.index_cast %scan3A_334 : i32 to index
      %swap3A_654 = arith.constant 48 : index
      %swap3A_655 = tpu.vector_load %arg8[%swap3A_652, %swap3A_653, %swap3A_654] {strides = array<i32>} : memref<4x128x64xf32, #tpu.memory_space<vmem>>, vector<1x1x16xf32>,
      %swap3A_656 = vector.shape_cast %swap3A_655 : vector<1x1x16xf32> to vector<16xf32>
      %swap3A_657 = vector.shape_cast %add3A_650 : vector<16xf32> to vector<1x1x16xf32>
      tpu.vector_store %arg8[%swap3A_652, %swap3A_653, %swap3A_654], %swap3A_657 {strides = array<i32>} : memref<4x128x64xf32, #tpu.memory_space<vmem>>, vector<1x1x16xf32>,
      %get3A_658 = arith.constant 3 : i32
      %get3A_659 = arith.index_cast %get3A_658 : i32 to index
      %get3A_660 = arith.index_cast %scan3A_334 : i32 to index
      %get3A_661 = arith.constant 0 : index
      %get3A_662 = tpu.vector_load %arg8[%get3A_659, %get3A_660, %get3A_661] {strides = array<i32>} : memref<4x128x64xf32, #tpu.memory_space<vmem>>, vector<1x1x16xf32>,
      %get3A_663 = vector.shape_cast %get3A_662 : vector<1x1x16xf32> to vector<16xf32>
      %get3A_664 = arith.constant 3 : i32
      %get3A_665 = arith.index_cast %get3A_664 : i32 to index
      %get3A_666 = arith.index_cast %scan3A_334 : i32 to index
      %get3A_667 = arith.constant 0 : index
      %get3A_668 = tpu.vector_load %arg9[%get3A_665, %get3A_666, %get3A_667] {strides = array<i32>} : memref<4x128x64xf32, #tpu.memory_space<vmem>>, vector<1x1x16xf32>,
      %get3A_669 = vector.shape_cast %get3A_668 : vector<1x1x16xf32> to vector<16xf32>
      %mul3A_670 = arith.mulf %get3A_663, %get3A_669 : vector<16xf32>
      %get3A_671 = arith.constant 3 : i32
      %get3A_672 = arith.index_cast %get3A_671 : i32 to index
      %get3A_673 = arith.index_cast %scan3A_334 : i32 to index
      %get3A_674 = arith.constant 0 : index
      %get3A_675 = tpu.vector_load %arg10[%get3A_672, %get3A_673, %get3A_674] {strides = array<i32>} : memref<4x128x64xf32, #tpu.memory_space<vmem>>, vector<1x1x16xf32>,
      %get3A_676 = vector.shape_cast %get3A_675 : vector<1x1x16xf32> to vector<16xf32>
      %add3A_677 = arith.addf %mul3A_670, %get3A_676 : vector<16xf32>
      %swap3A_678 = arith.constant 3 : i32
      %swap3A_679 = arith.index_cast %swap3A_678 : i32 to index
      %swap3A_680 = arith.index_cast %scan3A_334 : i32 to index
      %swap3A_681 = arith.constant 0 : index
      %swap3A_682 = tpu.vector_load %arg8[%swap3A_679, %swap3A_680, %swap3A_681] {strides = array<i32>} : memref<4x128x64xf32, #tpu.memory_space<vmem>>, vector<1x1x16xf32>,
      %swap3A_683 = vector.shape_cast %swap3A_682 : vector<1x1x16xf32> to vector<16xf32>
      %swap3A_684 = vector.shape_cast %add3A_677 : vector<16xf32> to vector<1x1x16xf32>
      tpu.vector_store %arg8[%swap3A_679, %swap3A_680, %swap3A_681], %swap3A_684 {strides = array<i32>} : memref<4x128x64xf32, #tpu.memory_space<vmem>>, vector<1x1x16xf32>,
      %get3A_685 = arith.constant 3 : i32
      %get3A_686 = arith.index_cast %get3A_685 : i32 to index
      %get3A_687 = arith.index_cast %scan3A_334 : i32 to index
      %get3A_688 = arith.constant 16 : index
      %get3A_689 = tpu.vector_load %arg8[%get3A_686, %get3A_687, %get3A_688] {strides = array<i32>} : memref<4x128x64xf32, #tpu.memory_space<vmem>>, vector<1x1x16xf32>,
      %get3A_690 = vector.shape_cast %get3A_689 : vector<1x1x16xf32> to vector<16xf32>
      %get3A_691 = arith.constant 3 : i32
      %get3A_692 = arith.index_cast %get3A_691 : i32 to index
      %get3A_693 = arith.index_cast %scan3A_334 : i32 to index
      %get3A_694 = arith.constant 16 : index
      %get3A_695 = tpu.vector_load %arg9[%get3A_692, %get3A_693, %get3A_694] {strides = array<i32>} : memref<4x128x64xf32, #tpu.memory_space<vmem>>, vector<1x1x16xf32>,
      %get3A_696 = vector.shape_cast %get3A_695 : vector<1x1x16xf32> to vector<16xf32>
      %mul3A_697 = arith.mulf %get3A_690, %get3A_696 : vector<16xf32>
      %get3A_698 = arith.constant 3 : i32
      %get3A_699 = arith.index_cast %get3A_698 : i32 to index
      %get3A_700 = arith.index_cast %scan3A_334 : i32 to index
      %get3A_701 = arith.constant 16 : index
      %get3A_702 = tpu.vector_load %arg10[%get3A_699, %get3A_700, %get3A_701] {strides = array<i32>} : memref<4x128x64xf32, #tpu.memory_space<vmem>>, vector<1x1x16xf32>,
      %get3A_703 = vector.shape_cast %get3A_702 : vector<1x1x16xf32> to vector<16xf32>
      %add3A_704 = arith.addf %mul3A_697, %get3A_703 : vector<16xf32>
      %swap3A_705 = arith.constant 3 : i32
      %swap3A_706 = arith.index_cast %swap3A_705 : i32 to index
      %swap3A_707 = arith.index_cast %scan3A_334 : i32 to index
      %swap3A_708 = arith.constant 16 : index
      %swap3A_709 = tpu.vector_load %arg8[%swap3A_706, %swap3A_707, %swap3A_708] {strides = array<i32>} : memref<4x128x64xf32, #tpu.memory_space<vmem>>, vector<1x1x16xf32>,
      %swap3A_710 = vector.shape_cast %swap3A_709 : vector<1x1x16xf32> to vector<16xf32>
      %swap3A_711 = vector.shape_cast %add3A_704 : vector<16xf32> to vector<1x1x16xf32>
      tpu.vector_store %arg8[%swap3A_706, %swap3A_707, %swap3A_708], %swap3A_711 {strides = array<i32>} : memref<4x128x64xf32, #tpu.memory_space<vmem>>, vector<1x1x16xf32>,
      %get3A_712 = arith.constant 3 : i32
      %get3A_713 = arith.index_cast %get3A_712 : i32 to index
      %get3A_714 = arith.index_cast %scan3A_334 : i32 to index
      %get3A_715 = arith.constant 32 : index
      %get3A_716 = tpu.vector_load %arg8[%get3A_713, %get3A_714, %get3A_715] {strides = array<i32>} : memref<4x128x64xf32, #tpu.memory_space<vmem>>, vector<1x1x16xf32>,
      %get3A_717 = vector.shape_cast %get3A_716 : vector<1x1x16xf32> to vector<16xf32>
      %get3A_718 = arith.constant 3 : i32
      %get3A_719 = arith.index_cast %get3A_718 : i32 to index
      %get3A_720 = arith.index_cast %scan3A_334 : i32 to index
      %get3A_721 = arith.constant 32 : index
      %get3A_722 = tpu.vector_load %arg9[%get3A_719, %get3A_720, %get3A_721] {strides = array<i32>} : memref<4x128x64xf32, #tpu.memory_space<vmem>>, vector<1x1x16xf32>,
      %get3A_723 = vector.shape_cast %get3A_722 : vector<1x1x16xf32> to vector<16xf32>
      %mul3A_724 = arith.mulf %get3A_717, %get3A_723 : vector<16xf32>
      %get3A_725 = arith.constant 3 : i32
      %get3A_726 = arith.index_cast %get3A_725 : i32 to index
      %get3A_727 = arith.index_cast %scan3A_334 : i32 to index
      %get3A_728 = arith.constant 32 : index
      %get3A_729 = tpu.vector_load %arg10[%get3A_726, %get3A_727, %get3A_728] {strides = array<i32>} : memref<4x128x64xf32, #tpu.memory_space<vmem>>, vector<1x1x16xf32>,
      %get3A_730 = vector.shape_cast %get3A_729 : vector<1x1x16xf32> to vector<16xf32>
      %add3A_731 = arith.addf %mul3A_724, %get3A_730 : vector<16xf32>
      %swap3A_732 = arith.constant 3 : i32
      %swap3A_733 = arith.index_cast %swap3A_732 : i32 to index
      %swap3A_734 = arith.index_cast %scan3A_334 : i32 to index
      %swap3A_735 = arith.constant 32 : index
      %swap3A_736 = tpu.vector_load %arg8[%swap3A_733, %swap3A_734, %swap3A_735] {strides = array<i32>} : memref<4x128x64xf32, #tpu.memory_space<vmem>>, vector<1x1x16xf32>,
      %swap3A_737 = vector.shape_cast %swap3A_736 : vector<1x1x16xf32> to vector<16xf32>
      %swap3A_738 = vector.shape_cast %add3A_731 : vector<16xf32> to vector<1x1x16xf32>
      tpu.vector_store %arg8[%swap3A_733, %swap3A_734, %swap3A_735], %swap3A_738 {strides = array<i32>} : memref<4x128x64xf32, #tpu.memory_space<vmem>>, vector<1x1x16xf32>,
      %get3A_739 = arith.constant 3 : i32
      %get3A_740 = arith.index_cast %get3A_739 : i32 to index
      %get3A_741 = arith.index_cast %scan3A_334 : i32 to index
      %get3A_742 = arith.constant 48 : index
      %get3A_743 = tpu.vector_load %arg8[%get3A_740, %get3A_741, %get3A_742] {strides = array<i32>} : memref<4x128x64xf32, #tpu.memory_space<vmem>>, vector<1x1x16xf32>,
      %get3A_744 = vector.shape_cast %get3A_743 : vector<1x1x16xf32> to vector<16xf32>
      %get3A_745 = arith.constant 3 : i32
      %get3A_746 = arith.index_cast %get3A_745 : i32 to index
      %get3A_747 = arith.index_cast %scan3A_334 : i32 to index
      %get3A_748 = arith.constant 48 : index
      %get3A_749 = tpu.vector_load %arg9[%get3A_746, %get3A_747, %get3A_748] {strides = array<i32>} : memref<4x128x64xf32, #tpu.memory_space<vmem>>, vector<1x1x16xf32>,
      %get3A_750 = vector.shape_cast %get3A_749 : vector<1x1x16xf32> to vector<16xf32>
      %mul3A_751 = arith.mulf %get3A_744, %get3A_750 : vector<16xf32>
      %get3A_752 = arith.constant 3 : i32
      %get3A_753 = arith.index_cast %get3A_752 : i32 to index
      %get3A_754 = arith.index_cast %scan3A_334 : i32 to index
      %get3A_755 = arith.constant 48 : index
      %get3A_756 = tpu.vector_load %arg10[%get3A_753, %get3A_754, %get3A_755] {strides = array<i32>} : memref<4x128x64xf32, #tpu.memory_space<vmem>>, vector<1x1x16xf32>,
      %get3A_757 = vector.shape_cast %get3A_756 : vector<1x1x16xf32> to vector<16xf32>
      %add3A_758 = arith.addf %mul3A_751, %get3A_757 : vector<16xf32>
      %swap3A_759 = arith.constant 3 : i32
      %swap3A_760 = arith.index_cast %swap3A_759 : i32 to index
      %swap3A_761 = arith.index_cast %scan3A_334 : i32 to index
      %swap3A_762 = arith.constant 48 : index
      %swap3A_763 = tpu.vector_load %arg8[%swap3A_760, %swap3A_761, %swap3A_762] {strides = array<i32>} : memref<4x128x64xf32, #tpu.memory_space<vmem>>, vector<1x1x16xf32>,
      %swap3A_764 = vector.shape_cast %swap3A_763 : vector<1x1x16xf32> to vector<16xf32>
      %swap3A_765 = vector.shape_cast %add3A_758 : vector<16xf32> to vector<1x1x16xf32>
      tpu.vector_store %arg8[%swap3A_760, %swap3A_761, %swap3A_762], %swap3A_765 {strides = array<i32>} : memref<4x128x64xf32, #tpu.memory_space<vmem>>, vector<1x1x16xf32>,
      %scan3A_766 = arith.constant 0 : i32
      scf.yield %scan3A_766 : i32
    }
    %scan3A_321 = arith.constant 128 : i32
    %add3A_322 = arith.constant 0 : i32
    %add3A_323 = arith.addi %mul3A_2, %add3A_322 : i32
    %run_scoped3A_324 = arith.constant 0 : i32
    "tpu.region"() ({
      %run_scoped3A_334 = tpu.sem_alloc : memref<!tpu.dma_semaphore, #tpu.memory_space<semaphore_mem>>
      %dma_start3A_335 = arith.constant 0 : i32
      %dma_start3A_336 = arith.constant 0 : i32
      %dma_start3A_337 = tpu.memref_slice %arg8[%run_scoped3A_324, %dma_start3A_335, %dma_start3A_336] : memref<4x128x64xf32, #tpu.memory_space<vmem>> -> memref<1x128x64xf32, #tpu.memory_space<vmem>>
      %dma_start3A_338 = tpu.memref_squeeze %dma_start3A_337 : memref<1x128x64xf32, #tpu.memory_space<vmem>> -> memref<128x64xf32, #tpu.memory_space<vmem>>
      %dma_start3A_339 = arith.constant 0 : i32
      %dma_start3A_340 = tpu.memref_slice %arg6[%add3A_323, %dma_start3A_339] : memref<16384x64xf32, #tpu.memory_space<hbm>> -> memref<128x64xf32, #tpu.memory_space<hbm>>
      %dma_start3A_341 = arith.constant 0 : i32
      %dma_start3A_342 = tpu.memref_slice %arg6[%add3A_323, %dma_start3A_341] : memref<16384x64xf32, #tpu.memory_space<hbm>> -> memref<128x64xf32, #tpu.memory_space<hbm>>
      %dma_start3A_343 = arith.constant 0 : i32
      %dma_start3A_344 = arith.constant 0 : i32
      %dma_start3A_345 = tpu.memref_slice %arg8[%run_scoped3A_324, %dma_start3A_343, %dma_start3A_344] : memref<4x128x64xf32, #tpu.memory_space<vmem>> -> memref<1x128x64xf32, #tpu.memory_space<vmem>>
      %dma_start3A_346 = tpu.memref_squeeze %dma_start3A_345 : memref<1x128x64xf32, #tpu.memory_space<vmem>> -> memref<128x64xf32, #tpu.memory_space<vmem>>
      tpu.enqueue_dma source(%dma_start3A_346 : memref<128x64xf32, #tpu.memory_space<vmem>>) target(%dma_start3A_342 : memref<128x64xf32, #tpu.memory_space<hbm>>) target_semaphore(%run_scoped3A_334 : memref<!tpu.dma_semaphore, #tpu.memory_space<semaphore_mem>>)
      %dma_wait3A_347 = arith.constant 0 : i32
      %dma_wait3A_348 = arith.constant 0 : i32
      %dma_wait3A_349 = tpu.memref_slice %arg8[%run_scoped3A_324, %dma_wait3A_347, %dma_wait3A_348] : memref<4x128x64xf32, #tpu.memory_space<vmem>> -> memref<1x128x64xf32, #tpu.memory_space<vmem>>
      %dma_wait3A_350 = tpu.memref_squeeze %dma_wait3A_349 : memref<1x128x64xf32, #tpu.memory_space<vmem>> -> memref<128x64xf32, #tpu.memory_space<vmem>>
      %dma_wait3A_351 = arith.constant 0 : i32
      %dma_wait3A_352 = tpu.memref_slice %arg6[%add3A_323, %dma_wait3A_351] : memref<16384x64xf32, #tpu.memory_space<hbm>> -> memref<128x64xf32, #tpu.memory_space<hbm>>
      %dma_wait3A_353 = arith.constant 0 : i32
      %dma_wait3A_354 = tpu.memref_slice %arg6[%add3A_323, %dma_wait3A_353] : memref<16384x64xf32, #tpu.memory_space<hbm>> -> memref<128x64xf32, #tpu.memory_space<hbm>>
      %dma_wait3A_355 = arith.constant 0 : i32
      %dma_wait3A_356 = arith.constant 0 : i32
      %dma_wait3A_357 = tpu.memref_slice %arg8[%run_scoped3A_324, %dma_wait3A_355, %dma_wait3A_356] : memref<4x128x64xf32, #tpu.memory_space<vmem>> -> memref<1x128x64xf32, #tpu.memory_space<vmem>>
      %dma_wait3A_358 = tpu.memref_squeeze %dma_wait3A_357 : memref<1x128x64xf32, #tpu.memory_space<vmem>> -> memref<128x64xf32, #tpu.memory_space<vmem>>
      tpu.wait_dma2 semaphore(%run_scoped3A_334 : memref<!tpu.dma_semaphore, #tpu.memory_space<semaphore_mem>>) src(%dma_wait3A_358 : memref<128x64xf32, #tpu.memory_space<vmem>>) dst(%dma_wait3A_354 : memref<128x64xf32, #tpu.memory_space<hbm>>)
      tpu.yield
    }) : () -> ()
    %add3A_325 = arith.constant 128 : i32
    %add3A_326 = arith.addi %mul3A_2, %add3A_325 : i32
    %run_scoped3A_327 = arith.constant 1 : i32
    "tpu.region"() ({
      %run_scoped3A_334 = tpu.sem_alloc : memref<!tpu.dma_semaphore, #tpu.memory_space<semaphore_mem>>
      %dma_start3A_335 = arith.constant 0 : i32
      %dma_start3A_336 = arith.constant 0 : i32
      %dma_start3A_337 = tpu.memref_slice %arg8[%run_scoped3A_327, %dma_start3A_335, %dma_start3A_336] : memref<4x128x64xf32, #tpu.memory_space<vmem>> -> memref<1x128x64xf32, #tpu.memory_space<vmem>>
      %dma_start3A_338 = tpu.memref_squeeze %dma_start3A_337 : memref<1x128x64xf32, #tpu.memory_space<vmem>> -> memref<128x64xf32, #tpu.memory_space<vmem>>
      %dma_start3A_339 = arith.constant 0 : i32
      %dma_start3A_340 = tpu.memref_slice %arg6[%add3A_326, %dma_start3A_339] : memref<16384x64xf32, #tpu.memory_space<hbm>> -> memref<128x64xf32, #tpu.memory_space<hbm>>
      %dma_start3A_341 = arith.constant 0 : i32
      %dma_start3A_342 = tpu.memref_slice %arg6[%add3A_326, %dma_start3A_341] : memref<16384x64xf32, #tpu.memory_space<hbm>> -> memref<128x64xf32, #tpu.memory_space<hbm>>
      %dma_start3A_343 = arith.constant 0 : i32
      %dma_start3A_344 = arith.constant 0 : i32
      %dma_start3A_345 = tpu.memref_slice %arg8[%run_scoped3A_327, %dma_start3A_343, %dma_start3A_344] : memref<4x128x64xf32, #tpu.memory_space<vmem>> -> memref<1x128x64xf32, #tpu.memory_space<vmem>>
      %dma_start3A_346 = tpu.memref_squeeze %dma_start3A_345 : memref<1x128x64xf32, #tpu.memory_space<vmem>> -> memref<128x64xf32, #tpu.memory_space<vmem>>
      tpu.enqueue_dma source(%dma_start3A_346 : memref<128x64xf32, #tpu.memory_space<vmem>>) target(%dma_start3A_342 : memref<128x64xf32, #tpu.memory_space<hbm>>) target_semaphore(%run_scoped3A_334 : memref<!tpu.dma_semaphore, #tpu.memory_space<semaphore_mem>>)
      %dma_wait3A_347 = arith.constant 0 : i32
      %dma_wait3A_348 = arith.constant 0 : i32
      %dma_wait3A_349 = tpu.memref_slice %arg8[%run_scoped3A_327, %dma_wait3A_347, %dma_wait3A_348] : memref<4x128x64xf32, #tpu.memory_space<vmem>> -> memref<1x128x64xf32, #tpu.memory_space<vmem>>
      %dma_wait3A_350 = tpu.memref_squeeze %dma_wait3A_349 : memref<1x128x64xf32, #tpu.memory_space<vmem>> -> memref<128x64xf32, #tpu.memory_space<vmem>>
      %dma_wait3A_351 = arith.constant 0 : i32
      %dma_wait3A_352 = tpu.memref_slice %arg6[%add3A_326, %dma_wait3A_351] : memref<16384x64xf32, #tpu.memory_space<hbm>> -> memref<128x64xf32, #tpu.memory_space<hbm>>
      %dma_wait3A_353 = arith.constant 0 : i32
      %dma_wait3A_354 = tpu.memref_slice %arg6[%add3A_326, %dma_wait3A_353] : memref<16384x64xf32, #tpu.memory_space<hbm>> -> memref<128x64xf32, #tpu.memory_space<hbm>>
      %dma_wait3A_355 = arith.constant 0 : i32
      %dma_wait3A_356 = arith.constant 0 : i32
      %dma_wait3A_357 = tpu.memref_slice %arg8[%run_scoped3A_327, %dma_wait3A_355, %dma_wait3A_356] : memref<4x128x64xf32, #tpu.memory_space<vmem>> -> memref<1x128x64xf32, #tpu.memory_space<vmem>>
      %dma_wait3A_358 = tpu.memref_squeeze %dma_wait3A_357 : memref<1x128x64xf32, #tpu.memory_space<vmem>> -> memref<128x64xf32, #tpu.memory_space<vmem>>
      tpu.wait_dma2 semaphore(%run_scoped3A_334 : memref<!tpu.dma_semaphore, #tpu.memory_space<semaphore_mem>>) src(%dma_wait3A_358 : memref<128x64xf32, #tpu.memory_space<vmem>>) dst(%dma_wait3A_354 : memref<128x64xf32, #tpu.memory_space<hbm>>)
      tpu.yield
    }) : () -> ()
    %add3A_328 = arith.constant 256 : i32
    %add3A_329 = arith.addi %mul3A_2, %add3A_328 : i32
    %run_scoped3A_330 = arith.constant 2 : i32
    "tpu.region"() ({
      %run_scoped3A_334 = tpu.sem_alloc : memref<!tpu.dma_semaphore, #tpu.memory_space<semaphore_mem>>
      %dma_start3A_335 = arith.constant 0 : i32
      %dma_start3A_336 = arith.constant 0 : i32
      %dma_start3A_337 = tpu.memref_slice %arg8[%run_scoped3A_330, %dma_start3A_335, %dma_start3A_336] : memref<4x128x64xf32, #tpu.memory_space<vmem>> -> memref<1x128x64xf32, #tpu.memory_space<vmem>>
      %dma_start3A_338 = tpu.memref_squeeze %dma_start3A_337 : memref<1x128x64xf32, #tpu.memory_space<vmem>> -> memref<128x64xf32, #tpu.memory_space<vmem>>
      %dma_start3A_339 = arith.constant 0 : i32
      %dma_start3A_340 = tpu.memref_slice %arg6[%add3A_329, %dma_start3A_339] : memref<16384x64xf32, #tpu.memory_space<hbm>> -> memref<128x64xf32, #tpu.memory_space<hbm>>
      %dma_start3A_341 = arith.constant 0 : i32
      %dma_start3A_342 = tpu.memref_slice %arg6[%add3A_329, %dma_start3A_341] : memref<16384x64xf32, #tpu.memory_space<hbm>> -> memref<128x64xf32, #tpu.memory_space<hbm>>
      %dma_start3A_343 = arith.constant 0 : i32
      %dma_start3A_344 = arith.constant 0 : i32
      %dma_start3A_345 = tpu.memref_slice %arg8[%run_scoped3A_330, %dma_start3A_343, %dma_start3A_344] : memref<4x128x64xf32, #tpu.memory_space<vmem>> -> memref<1x128x64xf32, #tpu.memory_space<vmem>>
      %dma_start3A_346 = tpu.memref_squeeze %dma_start3A_345 : memref<1x128x64xf32, #tpu.memory_space<vmem>> -> memref<128x64xf32, #tpu.memory_space<vmem>>
      tpu.enqueue_dma source(%dma_start3A_346 : memref<128x64xf32, #tpu.memory_space<vmem>>) target(%dma_start3A_342 : memref<128x64xf32, #tpu.memory_space<hbm>>) target_semaphore(%run_scoped3A_334 : memref<!tpu.dma_semaphore, #tpu.memory_space<semaphore_mem>>)
      %dma_wait3A_347 = arith.constant 0 : i32
      %dma_wait3A_348 = arith.constant 0 : i32
      %dma_wait3A_349 = tpu.memref_slice %arg8[%run_scoped3A_330, %dma_wait3A_347, %dma_wait3A_348] : memref<4x128x64xf32, #tpu.memory_space<vmem>> -> memref<1x128x64xf32, #tpu.memory_space<vmem>>
      %dma_wait3A_350 = tpu.memref_squeeze %dma_wait3A_349 : memref<1x128x64xf32, #tpu.memory_space<vmem>> -> memref<128x64xf32, #tpu.memory_space<vmem>>
      %dma_wait3A_351 = arith.constant 0 : i32
      %dma_wait3A_352 = tpu.memref_slice %arg6[%add3A_329, %dma_wait3A_351] : memref<16384x64xf32, #tpu.memory_space<hbm>> -> memref<128x64xf32, #tpu.memory_space<hbm>>
      %dma_wait3A_353 = arith.constant 0 : i32
      %dma_wait3A_354 = tpu.memref_slice %arg6[%add3A_329, %dma_wait3A_353] : memref<16384x64xf32, #tpu.memory_space<hbm>> -> memref<128x64xf32, #tpu.memory_space<hbm>>
      %dma_wait3A_355 = arith.constant 0 : i32
      %dma_wait3A_356 = arith.constant 0 : i32
      %dma_wait3A_357 = tpu.memref_slice %arg8[%run_scoped3A_330, %dma_wait3A_355, %dma_wait3A_356] : memref<4x128x64xf32, #tpu.memory_space<vmem>> -> memref<1x128x64xf32, #tpu.memory_space<vmem>>
      %dma_wait3A_358 = tpu.memref_squeeze %dma_wait3A_357 : memref<1x128x64xf32, #tpu.memory_space<vmem>> -> memref<128x64xf32, #tpu.memory_space<vmem>>
      tpu.wait_dma2 semaphore(%run_scoped3A_334 : memref<!tpu.dma_semaphore, #tpu.memory_space<semaphore_mem>>) src(%dma_wait3A_358 : memref<128x64xf32, #tpu.memory_space<vmem>>) dst(%dma_wait3A_354 : memref<128x64xf32, #tpu.memory_space<hbm>>)
      tpu.yield
    }) : () -> ()
    %add3A_331 = arith.constant 384 : i32
    %add3A_332 = arith.addi %mul3A_2, %add3A_331 : i32
    %run_scoped3A_333 = arith.constant 3 : i32
    "tpu.region"() ({
      %run_scoped3A_334 = tpu.sem_alloc : memref<!tpu.dma_semaphore, #tpu.memory_space<semaphore_mem>>
      %dma_start3A_335 = arith.constant 0 : i32
      %dma_start3A_336 = arith.constant 0 : i32
      %dma_start3A_337 = tpu.memref_slice %arg8[%run_scoped3A_333, %dma_start3A_335, %dma_start3A_336] : memref<4x128x64xf32, #tpu.memory_space<vmem>> -> memref<1x128x64xf32, #tpu.memory_space<vmem>>
      %dma_start3A_338 = tpu.memref_squeeze %dma_start3A_337 : memref<1x128x64xf32, #tpu.memory_space<vmem>> -> memref<128x64xf32, #tpu.memory_space<vmem>>
      %dma_start3A_339 = arith.constant 0 : i32
      %dma_start3A_340 = tpu.memref_slice %arg6[%add3A_332, %dma_start3A_339] : memref<16384x64xf32, #tpu.memory_space<hbm>> -> memref<128x64xf32, #tpu.memory_space<hbm>>
      %dma_start3A_341 = arith.constant 0 : i32
      %dma_start3A_342 = tpu.memref_slice %arg6[%add3A_332, %dma_start3A_341] : memref<16384x64xf32, #tpu.memory_space<hbm>> -> memref<128x64xf32, #tpu.memory_space<hbm>>
      %dma_start3A_343 = arith.constant 0 : i32
      %dma_start3A_344 = arith.constant 0 : i32
      %dma_start3A_345 = tpu.memref_slice %arg8[%run_scoped3A_333, %dma_start3A_343, %dma_start3A_344] : memref<4x128x64xf32, #tpu.memory_space<vmem>> -> memref<1x128x64xf32, #tpu.memory_space<vmem>>
      %dma_start3A_346 = tpu.memref_squeeze %dma_start3A_345 : memref<1x128x64xf32, #tpu.memory_space<vmem>> -> memref<128x64xf32, #tpu.memory_space<vmem>>
      tpu.enqueue_dma source(%dma_start3A_346 : memref<128x64xf32, #tpu.memory_space<vmem>>) target(%dma_start3A_342 : memref<128x64xf32, #tpu.memory_space<hbm>>) target_semaphore(%run_scoped3A_334 : memref<!tpu.dma_semaphore, #tpu.memory_space<semaphore_mem>>)
      %dma_wait3A_347 = arith.constant 0 : i32
      %dma_wait3A_348 = arith.constant 0 : i32
      %dma_wait3A_349 = tpu.memref_slice %arg8[%run_scoped3A_333, %dma_wait3A_347, %dma_wait3A_348] : memref<4x128x64xf32, #tpu.memory_space<vmem>> -> memref<1x128x64xf32, #tpu.memory_space<vmem>>
      %dma_wait3A_350 = tpu.memref_squeeze %dma_wait3A_349 : memref<1x128x64xf32, #tpu.memory_space<vmem>> -> memref<128x64xf32, #tpu.memory_space<vmem>>
      %dma_wait3A_351 = arith.constant 0 : i32
      %dma_wait3A_352 = tpu.memref_slice %arg6[%add3A_332, %dma_wait3A_351] : memref<16384x64xf32, #tpu.memory_space<hbm>> -> memref<128x64xf32, #tpu.memory_space<hbm>>
      %dma_wait3A_353 = arith.constant 0 : i32
      %dma_wait3A_354 = tpu.memref_slice %arg6[%add3A_332, %dma_wait3A_353] : memref<16384x64xf32, #tpu.memory_space<hbm>> -> memref<128x64xf32, #tpu.memory_space<hbm>>
      %dma_wait3A_355 = arith.constant 0 : i32
      %dma_wait3A_356 = arith.constant 0 : i32
      %dma_wait3A_357 = tpu.memref_slice %arg8[%run_scoped3A_333, %dma_wait3A_355, %dma_wait3A_356] : memref<4x128x64xf32, #tpu.memory_space<vmem>> -> memref<1x128x64xf32, #tpu.memory_space<vmem>>
      %dma_wait3A_358 = tpu.memref_squeeze %dma_wait3A_357 : memref<1x128x64xf32, #tpu.memory_space<vmem>> -> memref<128x64xf32, #tpu.memory_space<vmem>>
      tpu.wait_dma2 semaphore(%run_scoped3A_334 : memref<!tpu.dma_semaphore, #tpu.memory_space<semaphore_mem>>) src(%dma_wait3A_358 : memref<128x64xf32, #tpu.memory_space<vmem>>) dst(%dma_wait3A_354 : memref<128x64xf32, #tpu.memory_space<hbm>>)
      tpu.yield
    }) : () -> ()
    return
  }
}

</mosaic_0001>

<sc_bundles>
// kernel: kernel.3.cloned.1.call-start
scs
__scs_entry_jumppad:
0x0: {  	(pc) =	sbr.rel $0x88, $3  }
0x1: {  	(tag) =	ssettag $0x0;
	lr =	simm.s32 $0x1  }
0x2: {  	[smem:$0x3F9D] =	sst lr;
	_ =	strace $0xD0000000  }
0x3: {  	_ = 	snop  }
0x4: {  	_ = 	snop  }
0x5: {  	_ = 	snop  }
0x6: {  	_ = 	snop  }
0x7: {  	_ = 	snop  }
__scs_overlays_trampoline_lowered:
0x8: {  	[smem:$0x3FAC] =	sst s0  }
0x9: {  	[smem:$0x3FAD] =	sst s1  }
0xa: {  	[smem:$0x3FAE] =	sst s2  }
0xb: {  	[smem:$0x3FAF] =	sst s3  }
0xc: {  	[smem:$0x3FB0] =	sst s4  }
0xd: {  	[smem:$0x3FB1] =	sst s5  }
0xe: {  	[smem:$0x3FB2] =	sst s6  }
0xf: {  	[smem:$0x3FB3] =	sst s7  }
0x10: {  	[smem:$0x3FB4] =	sst s8  }
0x11: {  	[smem:$0x3FB5] =	sst s9;
	s0 =	simm.s32 @!p0 $0x0  }
0x12: {  	s1 =	sld [smem:$0x3F9B];
	s0 =	simm.s32 @p0 $0x1  }
0x13: {  	[smem:$0x3FB6] =	sst s0;
	s0 =	simm.s32 @!p1 $0x0  }
0x14: {  	s2 =	sld [smem:$0x3F9A];
	s0 =	simm.s32 @p1 $0x1  }
0x15: {  	[smem:$0x3FB7] =	sst s0;
	s0 =	simm.s32 @!p2 $0x0  }
0x16: {  	s3 =	sld [smem:$0x3FDB];
	s0 =	simm.s32 @p2 $0x1  }
0x17: {  	s4 =	simm.s32 $0x1BF5;
	[smem:$0x3FB9] =	sst s0  }
0x18: {  	s0 =	sld [smem:$0x3F9C];
	_ =	swait.ge [sflag:s4], $0x0  }
0x19: {  	s7 =	sld [smem:$0x3F9D]  }
0x1a: {  	s8 =	sadd.s32 $0xFFFFE003, lr  }
0x1b: {  	s9 =	sadd.s32 $0xFFFFFEF7, lr;
	s5 =	simm.s32 $0xFFFFFFFF;
	p2 =	slt.u32 s8, $0xFFFFF086  }
0x1c: {  	p1 =	slt.u32 s9, $0xF7A;
	s5 =	simm.s32 @!p2 $0x0  }
0x1d: {  	s5 =	simm.s32 @p1 $0x1;
	p0 =	seq.s32 s7, s2  }
0x1e: {  	s7 =	smul.u32 @!p0 $0xF7A, s2;
	p2 =	seq.s32 @!p0 s5, $0x0  }
0x1f: {  	s9 =	smul.u32 $0xF7A, s1;
	s8 =	simm.s32 @!p0 $0x1BF5;
	p2 =	por !p2, p0  }
0x20: {  	[sflag:s8] =	ssyncset.s32 @!p0 $0xFFFFF086;
	s6 =	sadd.s32 @!p0 s3, s7;
	s7 =	simm.s32 @!p0 $0x108  }
0x21: {  	s3 =	sadd.s32 s3, s9;
	s6 =	sadd.s32 @!p0 $0x88, s6;
	s7 =	simm.s32 @p2 $0x1082  }
0x22: {  	[simem:s7], [sflag:s8] =	dma.local @!p0 [hbm:s6], $0xF7A  }
0x23: {  	s9 =	sor.u32 $0xD0000000, s2;
	s6 =	simm.s32 $0x108;
	_ =	swait.ge @!p0 [sflag:s8], $0x0  }
0x24: {  	s3 =	sadd.s32 $0x88, s3;
	s6 =	simm.s32 @!p1 $0x1082;
	[sflag:s4] =	ssyncset.s32 $0xFFFFF086  }
0x25: {  	[simem:s6], [sflag:s4] =	dma.local [hbm:s3], $0xF7A  }
0x26: {  	[smem:$0x3F9D] =	sst s1;
	(tag) =	ssettag s2;
	_ =	strace s9  }
0x27: {  	s1 =	sld [smem:$0x3FAD]  }
0x28: {  	s2 =	sld [smem:$0x3FAE]  }
0x29: {  	s4 =	sld [smem:$0x3FB0]  }
0x2a: {  	p0 =	seq.s32 s5, $0x0;
	s5 =	sld [smem:$0x3FB1]  }
0x2b: {  	s6 =	sld [smem:$0x3FB2]  }
0x2c: {  	s7 =	sld [smem:$0x3FB3]  }
0x2d: {  	s3 =	simm.s32 $0x108;
	s8 =	sld [smem:$0x3FB4]  }
0x2e: {  	s3 =	simm.s32 @!p0 $0x1082;
	s9 =	sld [smem:$0x3FB5]  }
0x2f: {  	lr =	sadd.s32 s0, s3;
	s0 =	sld [smem:$0x3FAC]  }
0x30: {  	s3 =	sld [smem:$0x3FAF]  }
0x31: {  	[smem:$0x3FB8] =	sst s10  }
0x32: {  	s10 =	sld [smem:$0x3FB6];
	_ =	sdelay $0x3  }
0x33: {  	p0 =	seq.s32 s10, $0x1;
	s10 =	sld [smem:$0x3FB8];
	_ =	sdelay $0x3  }
0x34: {  	[smem:$0x3FB8] =	sst s10  }
0x35: {  	s10 =	sld [smem:$0x3FB7];
	_ =	sdelay $0x3  }
0x36: {  	p1 =	seq.s32 s10, $0x1;
	s10 =	sld [smem:$0x3FB8];
	_ =	sdelay $0x3  }
0x37: {  	[smem:$0x3FB8] =	sst s10  }
0x38: {  	s10 =	sld [smem:$0x3FB9]  }
0x39: {  	_ = 	snop;
	(pc) =	sbr.ind lr, $3  }
0x3a: {  	_ = 	snop  }
0x3b: {  	_ = 	snop  }
0x3c: {  	p2 =	seq.s32 s10, $0x1;
	s10 =	sld [smem:$0x3FB8]  }
0x3d: {  	_ =	shalt  }
0x3e: {  	_ =	shalt  }
0x3f: {  	_ =	shalt  }
0x40: {  	_ =	shalt  }
0x41: {  	_ =	shalt  }
0x42: {  	_ =	shalt  }
0x43: {  	_ =	shalt  }
0x44: {  	_ =	shalt  }
0x45: {  	_ =	shalt  }
0x46: {  	_ =	shalt  }
0x47: {  	_ =	shalt  }
0x48: {  	_ =	shalt  }
0x49: {  	_ =	shalt  }
0x4a: {  	_ =	shalt  }
0x4b: {  	_ =	shalt  }
0x4c: {  	_ =	shalt  }
0x4d: {  	_ =	shalt  }
0x4e: {  	_ =	shalt  }
0x4f: {  	_ =	shalt  }
0x50: {  	_ =	shalt  }
0x51: {  	_ =	shalt  }
0x52: {  	_ =	shalt  }
0x53: {  	_ =	shalt  }
0x54: {  	_ =	shalt  }
0x55: {  	_ =	shalt  }
0x56: {  	_ =	shalt  }
0x57: {  	_ =	shalt  }
0x58: {  	_ =	shalt  }
0x59: {  	_ =	shalt  }
0x5a: {  	_ =	shalt  }
0x5b: {  	_ =	shalt  }
0x5c: {  	_ =	shalt  }
0x5d: {  	_ =	shalt  }
0x5e: {  	_ =	shalt  }
0x5f: {  	_ =	shalt  }
0x60: {  	_ =	shalt  }
0x61: {  	_ =	shalt  }
0x62: {  	_ =	shalt  }
0x63: {  	_ =	shalt  }
0x64: {  	_ =	shalt  }
0x65: {  	_ =	shalt  }
0x66: {  	_ =	shalt  }
0x67: {  	_ =	shalt  }
0x68: {  	_ =	shalt  }
0x69: {  	_ =	shalt  }
0x6a: {  	_ =	shalt  }
0x6b: {  	_ =	shalt  }
0x6c: {  	_ =	shalt  }
0x6d: {  	_ =	shalt  }
0x6e: {  	_ =	shalt  }
0x6f: {  	_ =	shalt  }
0x70: {  	_ =	shalt  }
0x71: {  	_ =	shalt  }
0x72: {  	_ =	shalt  }
0x73: {  	_ =	shalt  }
0x74: {  	_ =	shalt  }
0x75: {  	_ =	shalt  }
0x76: {  	_ =	shalt  }
0x77: {  	_ =	shalt  }
0x78: {  	_ =	shalt  }
0x79: {  	_ =	shalt  }
0x7a: {  	_ =	shalt  }
0x7b: {  	_ =	shalt  }
0x7c: {  	_ =	shalt  }
0x7d: {  	_ =	shalt  }
0x7e: {  	_ =	shalt  }
0x7f: {  	_ =	shalt  }
0x80: {  	_ =	shalt  }
0x81: {  	_ =	shalt  }
0x82: {  	_ =	shalt  }
0x83: {  	_ =	shalt  }
0x84: {  	_ =	shalt  }
0x85: {  	_ =	shalt  }
0x86: {  	_ =	shalt  }
0x87: {  	_ =	shalt  }
.Lfunc_end0:
.L_simem_size_0:
called_computation_lowered:
.L_overlay_start_0:
0x88: {  	s2 =	sld [smem:$0x3FD9]  }
0x89: {  	s3 =	sld [smem:$0x3FFE];
	_ =	sdelay $0x1  }
0x8a: {  	s1 =	srdreg.scid  }
0x8b: {  	s0 =	sand.u32 $0x1, s1  }
0x8c: {  	s17 =	sshll.u32 s0, $0xA;
	s2 =	sadd.s32 s3, s2  }
0x8d: {  	s2 =	sadd.s32 s2, s17  }
0x8e: {  	[smem:$0x3FC4] =	sst s2  }
0x8f: {  	_ = 	snop  }
0x90: {  	s2 =	sld [smem:$0x3FC8]  }
0x91: {  	s18 =	sld [smem:$0x3FD0];
	(tm) =	ssettm $0x1  }
0x92: {  	s4 =	sld [smem:$0x3FFB];
	_ =	sdelay $0x3  }
0x93: {  	_ =	strace s4  }
0x94: {  	s4 =	sld [smem:$0x3FFC];
	_ =	sdelay $0x3  }
0x95: {  	_ =	strace s4  }
0x96: {  	s4 =	sld [smem:$0x3FFD];
	_ =	sdelay $0x3  }
0x97: {  	_ =	strace s4  }
0x98: {  	_ =	strace $0x8FFFFFFF  }
0x99: {  	s19 =	sld [smem:$0x3FDB];
	_ =	sdelay $0x1  }
0x9a: {  	s5 =	simm.s32 $_scs_section_size  }
0x9b: {  	s6 =	simm.s32 $_size__tile_overlayer_lowered;
	s7 =	simm.s32 $_tile_overlayer_lowered  }
0x9c: {  	s22 =	simm.s32 $0x1BFF;
	s21 =	sshll.u32 s7, $0x1;
	s4 =	sadd.s32 s5, s19  }
0x9d: {  	s8 =	simm.s32 $0x0;
	s20 =	sshll.u32 s6, $0x1;
	s6 =	sadd.s32 s21, s4  }
0x9e: {  	[timem:s8], [sflag:s22] =	dma.local [hbm:s6], s20  }
0x9f: {  	_ =	swait.ge [sflag:s22], s20  }
0xa0: {  	s5 =	ssub.s32 $0x0, s20;
	[sflag:s22] =	ssyncset.done $0x0  }
0xa1: {  	[sflag:s22] =	ssyncadd.s32 s5;
	_ =	sdelay $0x1  }
0xa2: {  	s23 =	simm.s32 $0x1B8B  }
0xa3: {  	_ =	swait.ge [sflag:s23], $0x1  }
0xa4: {  	[sflag:s23] =	ssyncset.done $0x0  }
0xa5: {  	s25 =	simm.s32 $0x1B8E;
	s24 =	sld [smem:$0x3FFE];
	[sflag:s23] =	ssyncadd.s32 $0xFFFFFFFF  }
0xa6: {  	s26 =	simm.s32 $execute0_lowered;
	[smem:$0x3FD2] =	sst s25  }
0xa7: {  	s6 =	sshll.u32 s26, $0x1;
	_ =	strace $0x80000046;
	[dreg:$0x1] =	wrdreg $0xFFFFFFFF  }
0xa8: {  	s28 =	simm.s32 $_size_execute0_lowered;
	s4 =	sadd.s32 s4, s6;
	[dreg:$0x0] =	wrdreg $0x0  }
0xa9: {  	s6 =	sshll.u32 s28, $0x1;
	[dreg:$0x2] =	wrdreg s4  }
0xaa: {  	[dreg:$0x3] =	wrdreg s6  }
0xab: {  	[dreg:$0x4] =	wrdreg $0xC0  }
0xac: {  	_ =	task [dreg:s8], $0x5FFFF  }
0xad: {  	[dreg:$0x1] =	wrdreg $0xFFFFFFFF  }
0xae: {  	[dreg:$0x0] =	wrdreg $0x60  }
0xaf: {  	[dreg:$0x2] =	wrdreg s18  }
0xb0: {  	[dreg:$0x3] =	wrdreg s2  }
0xb1: {  	[dreg:$0x4] =	wrdreg s24  }
0xb2: {  	[dreg:$0x5] =	wrdreg $0x9  }
0xb3: {  	_ =	task.clear_ibuf [dreg:s8], $0x6FFFF;
	_ =	strace $0x90000046  }
0xb4: {  	s29 =	simm.s32 $0x9;
	_ =	strace $0x80000048  }
0xb5: {  	_ =	swait.ge [sflag:s29], $0x1  }
0xb6: {  	[sflag:s29] =	ssyncadd.s32 $0xFFFFFFFF  }
0xb7: {  	_ =	strace $0x90000048  }
0xb8: {  	_ =	sfence  }
0xb9: {  	s30 =	sld [smem:$0x0];
	_ =	sdelay $0x2  }
0xba: {  	s31 =	sshll.u32 s1, $0xD;
	s1 =	sshrl.u32 s1, $0x2  }
0xbb: {  	s3 =	sand.u32 $0x4000, s31;
	s1 =	sadd.s32 s1, s30  }
0xbc: {  	s0 =	sor.u32 s3, s0;
	s1 =	sshll.u32 s1, $0x11  }
0xbd: {  	s0 =	sor.u32 s1, s0  }
0xbe: {  	s0 =	sadd.s32 $0x8F2B, s0  }
0xbf: {  	[sflag:s0] =	ssyncadd.remote.s32 $0x1  }
0xc0: {  	_ =	sfence.sel $0xFFFF  }
0xc1: {  	[dreg:$0x0] =	wrdreg $0xFFFFFFFF;
	(pc) =	sbr.abs _section_cstart, $3  }
0xc2: {  	[dreg:$0x1] =	wrdreg $0xFFFFFFFF  }
0xc3: {  	_ =	task.clear_ibuf [dreg:s8], $0x2FFFF;
	_ =	strace $0x9FFFFFFF  }
0xc4: {  	(tm) =	ssettm $0x7FFFFFFF  }
0xc5: {  	_ =	shalt  }
tec
execute0_lowered:
.L_overlay_start_1:
0x0: {  	(tag) =	ssettag $0x1  }
0x1: {  	s0 =	rddreg [dreg:$0x0]  }
0x2: {  	s1 =	rddreg [dreg:$0x1]  }
0x3: {  	s5 =	rddreg [dreg:$0x2]  }
0x4: {  	s2 =	simm.s32 $0x0;
	s3 =	srdreg.scid;
	s4 =	stileid.u32  }
0x5: {  	s19 =	simm.s32 $0x80;
	s20 =	simm.s32 $0x100;
	s21 =	simm.s32 $0x180  }
0x6: {  	s22 =	simm.s32 $0x200;
	s29 =	simm.s32 $0x4200;
	s23 =	simm.s32 $0x16200  }
0x7: {  	s24 =	simm.s32 $0x1;
	s6 =	sand.u32 $0x1, s3;
	s3 =	sadd.s32 $0x16E3C00, s5  }
0x8: {  	[smem:$0x7FF] =	sst s2;
	s7 =	sshll.u32 s4, $0xA;
	s4 =	sadd.s32 $0xF42A00, s5  }
0x9: {  	s16 =	sadd.s32 $0x600, s5;
	s8 =	sshll.u32 s6, $0x9;
	s6 =	ssub.s32 $0x2, s6  }
0xa: {  	_ =	strace $0x80000047;
	s9 =	sor.u32 s8, s7;
	s25 =	sshrl.u32 s6, $0x1  }
0xb: {  	s7 =	sshrl.u32 s9, $0x3;
	s17 =	ssub.s32 s6, s25;
	s10 =	sor.u32 $0x80, s9  }
0xc: {  	s11 =	sor.u32 $0x100, s9;
	s12 =	sor.u32 $0x180, s9;
	s31 =	sshll.u32 s9, $0x3  }
0xd: {  	s25 =	simm.s32 $0x2200;
	s5 =	sadd.s32 s1, s7;
	s26 =	sshrl.u32 s10, $0x3  }
0xe: {  	s28 =	sshrl.u32 s11, $0x3;
	s30 =	sshrl.u32 s12, $0x3;
	s9 =	sadd.s32 s0, s31  }
0xf: {  	s14 =	sshll.u32 s10, $0x3;
	s15 =	sshll.u32 s11, $0x3;
	s18 =	sshll.u32 s12, $0x3  }
0x10: {  	s13 =	sadd.s32 s16, s31;
	s17 =	smax.u32 s17, $0x1;
	s6 =	sadd.s32 s1, s26  }
0x11: {  	s7 =	sadd.s32 s1, s28;
	s8 =	sadd.s32 s1, s30;
	s10 =	sadd.s32 s0, s14  }
0x12: {  	s11 =	sadd.s32 s0, s15;
	s12 =	sadd.s32 s0, s18;
	s14 =	sadd.s32 s16, s14  }
0x13: {  	s15 =	sadd.s32 s16, s15;
	s16 =	sadd.s32 s16, s18;
	s18 =	simm.s32 $0x2  }
0x14: {  	s0 =	simm.s32 $0x6200;
	s1 =	simm.s32 $0xE200;
	s26 =	simm.s32 $0x0  }
.LBB2_1:
0x15: {  	[tilespmem:s2], [sflag:$0x2] =	stream.linear.gather [hbm4b:s5+s2], $0x80, $0x38;
	[tilespmem:$0x18200] =	vst v63  }
0x16: {  	_ =	swait.ge [sflag:s18], $0x80  }
0x17: {  	[sflag:s18] =	ssyncset.done $0x0  }
0x18: {  	[sflag:s18] =	ssyncadd.s32 $0xFFFFFF80  }
0x19: {  	[tilespmem:s19], [sflag:$0x2] =	stream.linear.gather [hbm4b:s6+s2], $0x80, $0x38;
	[tilespmem:$0x18200] =	vst v63  }
0x1a: {  	_ =	swait.ge [sflag:s18], $0x80  }
0x1b: {  	[sflag:s18] =	ssyncset.done $0x0  }
0x1c: {  	[sflag:s18] =	ssyncadd.s32 $0xFFFFFF80  }
0x1d: {  	[tilespmem:s20], [sflag:$0x2] =	stream.linear.gather [hbm4b:s7+s2], $0x80, $0x38;
	[tilespmem:$0x18200] =	vst v63  }
0x1e: {  	_ =	swait.ge [sflag:s18], $0x80  }
0x1f: {  	[sflag:s18] =	ssyncset.done $0x0  }
0x20: {  	[sflag:s18] =	ssyncadd.s32 $0xFFFFFF80  }
0x21: {  	[tilespmem:s21], [sflag:$0x2] =	stream.linear.gather [hbm4b:s8+s2], $0x80, $0x38;
	[tilespmem:$0x18200] =	vst v63  }
0x22: {  	_ =	swait.ge [sflag:s18], $0x80  }
0x23: {  	[sflag:s18] =	ssyncset.done $0x0  }
0x24: {  	[sflag:s18] =	ssyncadd.s32 $0xFFFFFF80  }
0x25: {  	[tilespmem:s22], [sflag:$0x1] =	stream.linear.gather [hbm4b:s9+s2], $0x2000, $0x38;
	[tilespmem:$0x18200] =	vst v63  }
0x26: {  	s28 =	simm.s32 $0x8200  }
0x27: {  	[tilespmem:s28], [sflag:$0x1] =	stream.indirect.gather [hbm4b:s3+s19], $0x40, s2, s19, $0xb8;
	[tilespmem:$0x18200] =	vst v63  }
0x28: {  	s28 =	simm.s32 $0x10200  }
0x29: {  	[tilespmem:s28], [sflag:$0x1] =	stream.indirect.gather [hbm4b:s4+s19], $0x40, s2, s19, $0xb8;
	[tilespmem:$0x18200] =	vst v63  }
0x2a: {  	_ = 	snop  }
0x2b: {  	[tilespmem:s25], [sflag:$0x1] =	stream.linear.gather [hbm4b:s10+s2], $0x2000, $0x38;
	[tilespmem:$0x18200] =	vst v63  }
0x2c: {  	s28 =	simm.s32 $0xA200  }
0x2d: {  	[tilespmem:s28], [sflag:$0x1] =	stream.indirect.gather [hbm4b:s3+s19], $0x40, s19, s19, $0xb8;
	[tilespmem:$0x18200] =	vst v63  }
0x2e: {  	s28 =	simm.s32 $0x12200  }
0x2f: {  	[tilespmem:s28], [sflag:$0x1] =	stream.indirect.gather [hbm4b:s4+s19], $0x40, s19, s19, $0xb8;
	[tilespmem:$0x18200] =	vst v63  }
0x30: {  	_ = 	snop  }
0x31: {  	[tilespmem:s29], [sflag:$0x1] =	stream.linear.gather [hbm4b:s11+s2], $0x2000, $0x38;
	[tilespmem:$0x18200] =	vst v63  }
0x32: {  	s28 =	simm.s32 $0xC200  }
0x33: {  	[tilespmem:s28], [sflag:$0x1] =	stream.indirect.gather [hbm4b:s3+s19], $0x40, s20, s19, $0xb8;
	[tilespmem:$0x18200] =	vst v63  }
0x34: {  	s28 =	simm.s32 $0x14200  }
0x35: {  	[tilespmem:s28], [sflag:$0x1] =	stream.indirect.gather [hbm4b:s4+s19], $0x40, s20, s19, $0xb8;
	[tilespmem:$0x18200] =	vst v63  }
0x36: {  	_ = 	snop  }
0x37: {  	[tilespmem:s0], [sflag:$0x1] =	stream.linear.gather [hbm4b:s12+s2], $0x2000, $0x38;
	[tilespmem:$0x18200] =	vst v63  }
0x38: {  	_ = 	snop  }
0x39: {  	[tilespmem:s1], [sflag:$0x1] =	stream.indirect.gather [hbm4b:s3+s19], $0x40, s21, s19, $0xb8;
	[tilespmem:$0x18200] =	vst v63  }
0x3a: {  	_ = 	snop  }
0x3b: {  	[tilespmem:s23], [sflag:$0x1] =	stream.indirect.gather [hbm4b:s4+s19], $0x40, s21, s19, $0xb8;
	[tilespmem:$0x18200] =	vst v63  }
0x3c: {  	_ =	swait.ge [sflag:s24], $0x2000  }
0x3d: {  	[sflag:s24] =	ssyncset.done $0x0  }
0x3e: {  	[sflag:s24] =	ssyncadd.s32 $0xFFFFE000  }
0x3f: {  	_ =	swait.ge [sflag:s24], $0x2000  }
0x40: {  	[sflag:s24] =	ssyncset.done $0x0  }
0x41: {  	[sflag:s24] =	ssyncadd.s32 $0xFFFFE000  }
0x42: {  	_ =	swait.ge [sflag:s24], $0x2000  }
0x43: {  	[sflag:s24] =	ssyncset.done $0x0  }
0x44: {  	[sflag:s24] =	ssyncadd.s32 $0xFFFFE000  }
0x45: {  	_ =	swait.ge [sflag:s24], $0x2000  }
0x46: {  	[sflag:s24] =	ssyncset.done $0x0  }
0x47: {  	[sflag:s24] =	ssyncadd.s32 $0xFFFFE000  }
0x48: {  	_ =	swait.ge [sflag:s24], $0x2000  }
0x49: {  	[sflag:s24] =	ssyncset.done $0x0  }
0x4a: {  	[sflag:s24] =	ssyncadd.s32 $0xFFFFE000  }
0x4b: {  	_ =	swait.ge [sflag:s24], $0x2000  }
0x4c: {  	[sflag:s24] =	ssyncset.done $0x0  }
0x4d: {  	[sflag:s24] =	ssyncadd.s32 $0xFFFFE000  }
0x4e: {  	_ =	swait.ge [sflag:s24], $0x2000  }
0x4f: {  	[sflag:s24] =	ssyncset.done $0x0  }
0x50: {  	[sflag:s24] =	ssyncadd.s32 $0xFFFFE000  }
0x51: {  	_ =	swait.ge [sflag:s24], $0x2000  }
0x52: {  	[sflag:s24] =	ssyncset.done $0x0  }
0x53: {  	[sflag:s24] =	ssyncadd.s32 $0xFFFFE000  }
0x54: {  	_ =	swait.ge [sflag:s24], $0x2000  }
0x55: {  	[sflag:s24] =	ssyncset.done $0x0  }
0x56: {  	[sflag:s24] =	ssyncadd.s32 $0xFFFFE000  }
0x57: {  	_ =	swait.ge [sflag:s24], $0x2000  }
0x58: {  	[sflag:s24] =	ssyncset.done $0x0  }
0x59: {  	[sflag:s24] =	ssyncadd.s32 $0xFFFFE000  }
0x5a: {  	_ =	swait.ge [sflag:s24], $0x2000  }
0x5b: {  	[sflag:s24] =	ssyncset.done $0x0  }
0x5c: {  	[sflag:s24] =	ssyncadd.s32 $0xFFFFE000  }
0x5d: {  	_ =	swait.ge [sflag:s24], $0x2000  }
0x5e: {  	[sflag:s24] =	ssyncset.done $0x0  }
0x5f: {  	s28 =	simm.s32 $0x0;
	[sflag:s24] =	ssyncadd.s32 $0xFFFFE000  }
0x60: {  	v12 =	vld [tilespmem:s28+$0x10200]  }
0x61: {  	v13 =	vld [tilespmem:s28+$0x10210]  }
0x62: {  	v14 =	vld [tilespmem:s28+$0x10220]  }
0x63: {  	v15 =	vld [tilespmem:s28+$0x10230]  }
0x64: {  	v16 =	vld [tilespmem:s28+$0x12200]  }
0x65: {  	v17 =	vld [tilespmem:s28+$0x12210]  }
0x66: {  	v18 =	vld [tilespmem:s28+$0x12220]  }
0x67: {  	v20 =	vld [tilespmem:s28+$0x12230]  }
0x68: {  	v5 =	vld [tilespmem:s28+$0x14200]  }
0x69: {  	v4 =	vld [tilespmem:s28+$0x14210]  }
0x6a: {  	v3 =	vld [tilespmem:s28+$0x14220]  }
0x6b: {  	v2 =	vld [tilespmem:s28+$0x14230]  }
0x6c: {  	v1 =	vld [tilespmem:s28+$0x16200]  }
0x6d: {  	v0 =	vld [tilespmem:s28+$0x16210]  }
0x6e: {  	v19 =	vld [tilespmem:s28+$0x8200]  }
0x6f: {  	v21 =	vld [tilespmem:s28+$0x8210]  }
0x70: {  	v22 =	vld [tilespmem:s28+$0x8220]  }
0x71: {  	v23 =	vld [tilespmem:s28+$0x8230]  }
0x72: {  	v24 =	vld [tilespmem:s28+$0xA200]  }
0x73: {  	v25 =	vld [tilespmem:s28+$0xA210]  }
0x74: {  	v26 =	vld [tilespmem:s28+$0xA220]  }
0x75: {  	v27 =	vld [tilespmem:s28+$0xA230]  }
0x76: {  	v28 =	vld [tilespmem:s28+$0xC200]  }
0x77: {  	v29 =	vld [tilespmem:s28+$0xC210]  }
0x78: {  	v11 =	vld [tilespmem:s28+$0xC220]  }
0x79: {  	v10 =	vld [tilespmem:s28+$0xC230]  }
0x7a: {  	v9 =	vld [tilespmem:s28+$0xE200]  }
0x7b: {  	v8 =	vld [tilespmem:s28+$0xE210]  }
0x7c: {  	v7 =	vld [tilespmem:s28+$0xE220]  }
0x7d: {  	v30 =	vld [tilespmem:s28+$0x200]  }
0x7e: {  	v31 =	vld [tilespmem:s28+$0x210]  }
0x7f: {  	v32 =	vld [tilespmem:s28+$0x220]  }
0x80: {  	v33 =	vld [tilespmem:s28+$0x230]  }
0x81: {  	v34 =	vld [tilespmem:s28+$0x2200]  }
0x82: {  	v6 =	vld [tilespmem:s28+$0xE230]  }
0x83: {  	v62 =	vld [tilespmem:s28+$0x2210];
	v19 =	vmul.f32 v19, v30  }
0x84: {  	v35 =	vld [tilespmem:s28+$0x2220];
	v21 =	vmul.f32 v21, v31;
	v22 =	vmul.f32 v22, v32  }
0x85: {  	v23 =	vmul.f32 v23, v33;
	v12 =	vadd.f32 v12, v19;
	v19 =	vld [tilespmem:s28+$0x2230]  }
0x86: {  	v63 =	vld [tilespmem:s28+$0x4200];
	v13 =	vadd.f32 v13, v21;
	v14 =	vadd.f32 v14, v22;
	v22 =	vmul.f32 v24, v34  }
0x87: {  	v21 =	vld [tilespmem:s28+$0x4210];
	[tilespmem:s28+$0x200] =	vst v12  }
0x88: {  	v15 =	vadd.f32 v15, v23;
	v23 =	vmul.f32 v25, v62;
	[tilespmem:s28+$0x210] =	vst v13;
	v12 =	vld [tilespmem:s28+$0x4220];
	v16 =	vadd.f32 v16, v22  }
0x89: {  	[tilespmem:s28+$0x220] =	vst v14;
	v13 =	vld [tilespmem:s28+$0x4230];
	v22 =	vmul.f32 v26, v35  }
0x8a: {  	v14 =	vld [tilespmem:s28+$0x6200];
	v17 =	vadd.f32 v17, v23;
	[tilespmem:s28+$0x2200] =	vst v16;
	v16 =	vmul.f32 v27, v19  }
0x8b: {  	[tilespmem:s28+$0x230] =	vst v15;
	v15 =	vld [tilespmem:s28+$0x6210];
	v18 =	vadd.f32 v18, v22;
	v19 =	vmul.f32 v28, v63  }
0x8c: {  	s30 =	simm.s32 $0x100;
	[tilespmem:s28+$0x2210] =	vst v17;
	v17 =	vmul.f32 v29, v21;
	v20 =	vadd.f32 v20, v16;
	v16 =	vld [tilespmem:s28+$0x6220]  }
.LBB2_2:
0x8d: {  	p0 =	sne.s32 s30, $0x7F00;
	[tilespmem:s28+$0x2220] =	vst v18;
	v5 =	vadd.f32 v5, v19;
	v11 =	vmul.f32 v11, v12;
	v12 =	vld [tilespmem:s28+$0x6230]  }
0x8e: {  	[tilespmem:s28+$0x2230] =	vst v20;
	v4 =	vadd.f32 v4, v17;
	v10 =	vmul.f32 v10, v13;
	v13 =	vld [tilespmem:s28+$0x16220]  }
0x8f: {  	s31 =	sshra.s32 s30, $0x2;
	[tilespmem:s28+$0x4200] =	vst v5;
	v3 =	vadd.f32 v3, v11;
	v5 =	vmul.f32 v9, v14;
	v9 =	vld [tilespmem:s28+$0x16230]  }
0x90: {  	v14 =	vld [tilespmem:s31+$0x10200];
	[tilespmem:s28+$0x4210] =	vst v4;
	v2 =	vadd.f32 v2, v10;
	v4 =	vmul.f32 v8, v15  }
0x91: {  	v15 =	vld [tilespmem:s31+$0x10210];
	[tilespmem:s28+$0x4220] =	vst v3;
	v1 =	vadd.f32 v1, v5;
	v3 =	vmul.f32 v7, v16  }
0x92: {  	v16 =	vld [tilespmem:s31+$0x10220];
	[tilespmem:s28+$0x4230] =	vst v2;
	v0 =	vadd.f32 v0, v4;
	v2 =	vmul.f32 v6, v12  }
0x93: {  	v12 =	vld [tilespmem:s31+$0x10230];
	[tilespmem:s28+$0x6200] =	vst v1;
	v1 =	vadd.f32 v13, v3  }
0x94: {  	v13 =	vld [tilespmem:s31+$0x12200];
	[tilespmem:s28+$0x6210] =	vst v0;
	v0 =	vadd.f32 v9, v2  }
0x95: {  	v17 =	vld [tilespmem:s31+$0x12210];
	[tilespmem:s28+$0x6220] =	vst v1  }
0x96: {  	v18 =	vld [tilespmem:s31+$0x12220];
	[tilespmem:s28+$0x6230] =	vst v0;
	s28 =	smov.u32 s31  }
0x97: {  	v20 =	vld [tilespmem:s28+$0x12230]  }
0x98: {  	v5 =	vld [tilespmem:s28+$0x14200]  }
0x99: {  	v4 =	vld [tilespmem:s28+$0x14210]  }
0x9a: {  	v3 =	vld [tilespmem:s28+$0x14220]  }
0x9b: {  	v2 =	vld [tilespmem:s28+$0x14230]  }
0x9c: {  	v1 =	vld [tilespmem:s28+$0x16200]  }
0x9d: {  	v0 =	vld [tilespmem:s28+$0x16210]  }
0x9e: {  	v19 =	vld [tilespmem:s28+$0x8200]  }
0x9f: {  	v21 =	vld [tilespmem:s28+$0x8210]  }
0xa0: {  	v22 =	vld [tilespmem:s28+$0x8220]  }
0xa1: {  	v23 =	vld [tilespmem:s28+$0x8230]  }
0xa2: {  	v24 =	vld [tilespmem:s28+$0xA200]  }
0xa3: {  	v25 =	vld [tilespmem:s28+$0xA210]  }
0xa4: {  	v26 =	vld [tilespmem:s28+$0xA220]  }
0xa5: {  	v27 =	vld [tilespmem:s28+$0xA230]  }
0xa6: {  	v28 =	vld [tilespmem:s28+$0xC200]  }
0xa7: {  	v29 =	vld [tilespmem:s28+$0xC210]  }
0xa8: {  	v11 =	vld [tilespmem:s28+$0xC220]  }
0xa9: {  	v10 =	vld [tilespmem:s28+$0xC230]  }
0xaa: {  	v9 =	vld [tilespmem:s28+$0xE200]  }
0xab: {  	v8 =	vld [tilespmem:s28+$0xE210]  }
0xac: {  	v7 =	vld [tilespmem:s28+$0xE220]  }
0xad: {  	v6 =	vld [tilespmem:s28+$0xE230]  }
0xae: {  	v30 =	vld [tilespmem:s28+$0x200]  }
0xaf: {  	v31 =	vld [tilespmem:s28+$0x210]  }
0xb0: {  	v32 =	vld [tilespmem:s28+$0x220]  }
0xb1: {  	v33 =	vld [tilespmem:s28+$0x230]  }
0xb2: {  	v34 =	vld [tilespmem:s28+$0x2200]  }
0xb3: {  	v19 =	vmul.f32 v19, v30;
	v30 =	vld [tilespmem:s28+$0x2210]  }
0xb4: {  	v21 =	vmul.f32 v21, v31;
	v31 =	vld [tilespmem:s28+$0x2220]  }
0xb5: {  	v14 =	vadd.f32 v14, v19;
	v19 =	vmul.f32 v22, v32;
	v22 =	vld [tilespmem:s28+$0x2230]  }
0xb6: {  	v15 =	vadd.f32 v15, v21;
	v21 =	vmul.f32 v23, v33;
	v23 =	vld [tilespmem:s28+$0x4200]  }
0xb7: {  	[tilespmem:s28+$0x200] =	vst v14;
	v14 =	vadd.f32 v16, v19;
	v16 =	vmul.f32 v24, v34;
	v24 =	vld [tilespmem:s28+$0x4210]  }
.Ltmp0:
0xb8: {  	[tilespmem:s28+$0x210] =	vst v15;
	v15 =	vadd.f32 v12, v21;
	v19 =	vmul.f32 v25, v30;
	v12 =	vld [tilespmem:s28+$0x4220];
	(pc) =	sbr.rel @p0 .LBB2_2-.Ltmp0, $4  }
0xb9: {  	[tilespmem:s28+$0x220] =	vst v14;
	v16 =	vadd.f32 v13, v16;
	v21 =	vmul.f32 v26, v31;
	v13 =	vld [tilespmem:s28+$0x4230]  }
0xba: {  	[tilespmem:s28+$0x230] =	vst v15;
	v17 =	vadd.f32 v17, v19;
	v22 =	vmul.f32 v27, v22;
	v14 =	vld [tilespmem:s28+$0x6200]  }
0xbb: {  	[tilespmem:s28+$0x2200] =	vst v16;
	v18 =	vadd.f32 v18, v21;
	v19 =	vmul.f32 v28, v23;
	v15 =	vld [tilespmem:s28+$0x6210]  }
0xbc: {  	s30 =	sadd.s32 $0x100, s30;
	[tilespmem:s28+$0x2210] =	vst v17;
	v20 =	vadd.f32 v20, v22;
	v17 =	vmul.f32 v29, v24;
	v16 =	vld [tilespmem:s28+$0x6220]  }
0xbd: {  	[tilespmem:s28+$0x2220] =	vst v18;
	v55 =	vld [tilespmem:s28+$0x6230];
	v5 =	vadd.f32 v5, v19;
	v11 =	vmul.f32 v11, v12  }
0xbe: {  	v56 =	vld [tilespmem:s28+$0x16220];
	[tilespmem:s28+$0x2230] =	vst v20;
	v4 =	vadd.f32 v4, v17;
	v10 =	vmul.f32 v10, v13  }
0xbf: {  	v58 =	vld [tilespmem:s28+$0x16230];
	[tilespmem:s28+$0x4200] =	vst v5;
	v3 =	vadd.f32 v3, v11;
	v57 =	vmul.f32 v9, v14  }
0xc0: {  	[tilespmem:s28+$0x4210] =	vst v4;
	v2 =	vadd.f32 v2, v10;
	v59 =	vmul.f32 v8, v15  }
0xc1: {  	[tilespmem:s28+$0x4220] =	vst v3;
	v1 =	vadd.f32 v1, v57;
	v60 =	vmul.f32 v7, v16  }
0xc2: {  	[tilespmem:s28+$0x4230] =	vst v2;
	v0 =	vadd.f32 v0, v59;
	v61 =	vmul.f32 v6, v55  }
0xc3: {  	[tilespmem:s28+$0x6200] =	vst v1;
	v62 =	vadd.f32 v56, v60  }
0xc4: {  	[tilespmem:s28+$0x6210] =	vst v0;
	v63 =	vadd.f32 v58, v61  }
0xc5: {  	[tilespmem:s28+$0x6220] =	vst v62  }
0xc6: {  	[tilespmem:s28+$0x6230] =	vst v63  }
0xc7: {  	[hbm4b:s13+s2] =	stream.linear.scatter [tilespmem:s22], [sflag:$0x2], $0x2000, $0x38;
	[tilespmem:$0x18200] =	vst v63  }
0xc8: {  	_ =	swait.ge [sflag:s18], $0x2000  }
0xc9: {  	[sflag:s18] =	ssyncset.done $0x0  }
0xca: {  	[sflag:s18] =	ssyncadd.s32 $0xFFFFE000  }
0xcb: {  	[hbm4b:s14+s2] =	stream.linear.scatter [tilespmem:s25], [sflag:$0x2], $0x2000, $0x38;
	[tilespmem:$0x18200] =	vst v63  }
0xcc: {  	_ =	swait.ge [sflag:s18], $0x2000  }
0xcd: {  	[sflag:s18] =	ssyncset.done $0x0  }
0xce: {  	[sflag:s18] =	ssyncadd.s32 $0xFFFFE000  }
0xcf: {  	[hbm4b:s15+s2] =	stream.linear.scatter [tilespmem:s29], [sflag:$0x2], $0x2000, $0x38;
	[tilespmem:$0x18200] =	vst v63  }
0xd0: {  	s26 =	sadd.s32 $0x1, s26;
	_ =	swait.ge [sflag:s18], $0x2000  }
0xd1: {  	p0 =	sne.s32 s26, s17;
	[sflag:s18] =	ssyncset.done $0x0  }
.Ltmp1:
0xd2: {  	[sflag:s18] =	ssyncadd.s32 $0xFFFFE000;
	(pc) =	sbr.rel @p0 .LBB2_1-.Ltmp1, $4  }
0xd3: {  	[hbm4b:s16+s2] =	stream.linear.scatter [tilespmem:s0], [sflag:$0x2], $0x2000, $0x38;
	[tilespmem:$0x18200] =	vst v63  }
0xd4: {  	_ =	swait.ge [sflag:s18], $0x2000  }
0xd5: {  	[sflag:s18] =	ssyncset.done $0x0  }
0xd6: {  	[sflag:s18] =	ssyncadd.s32 $0xFFFFE000  }
0xd7: {  	_ =	sfence.sel $0x180000  }
0xd8: {  	[bflag:$0x0] =	sbarrier.arrive $0xFFFF  }
0xd9: {  	_ =	strace $0x90000047  }
0xda: {  	s0 =	stileid.u32;
	[bflag:$0x2] =	sbarrier.arrive $0xFFFF  }
0xdb: {  	p0 =	sne.s32 s0, $0x0;
	s0 =	rddreg [dreg:$0x3]  }
0xdc: {  	s0 =	sadd.s32 @!p0 $0x100000, s0  }
0xdd: {  	[sflag:s0] =	ssyncadd.tile.s32 @!p0 $0x1;
	_ =	shalt  }
.Lfunc_end2:
_tile_overlayer_lowered:
.L_overlay_start_2:
0xde: {  	(tag) =	ssettag $0x2  }
0xdf: {  	s0 =	rddreg [dreg:$0x0];
	s2 =	stileid.u32  }
0xe0: {  	s1 =	rddreg [dreg:$0x1];
	p0 =	sne.s32 s2, $0x0  }
0xe1: {  	s3 =	rddreg [dreg:$0x2];
	[bflag:$0x3] =	sbarrier.arrive $0xFFFF;
	s2 =	simm.s32 @!p0 $0x1C02  }
0xe2: {  	[timem:s3], [sflag:s2] =	dma.local @!p0 [hbm:s0], s1  }
0xe3: {  	s0 =	simm.s32 @!p0 $0x2  }
0xe4: {  	_ =	swait.ge @!p0 [sflag:s0], s1  }
0xe5: {  	s1 =	ssub.s32 @!p0 $0x0, s1;
	[sflag:s0] =	ssyncset.done @!p0 $0x0  }
0xe6: {  	[sflag:s0] =	ssyncadd.s32 @!p0 s1  }
0xe7: {  	[bflag:$0x3] =	sbarrier.arrive $0xFFFF  }
0xe8: {  	_ =	shalt  }

</sc_bundles>
